<compile_context>
chip_gen: v7x
topology: tpu7x:2x2x1
jax: 0.10.2.dev20260603
libtpu: 0.0.44.dev20260713+nightly
codegen_flags: <defaults>
</compile_context>

<pallas_src>
import functools

import jax
import jax.numpy as jnp
from jax import lax
from jax.experimental import pallas as pl
from jax.experimental.pallas import tpu as pltpu
from jax.experimental.pallas import tpu_sc as plsc

N_NODES = 10000
N_EDGES = 320000
D = 128
DH = D // 2

NC = 2
NS = 16
B = 125
NBE = 160
NBD = NBE // NC
STG = 80
NBUF = 2
N_PAD = 10240
ROWS_PER_TILE = N_PAD // NS
DEG_PAD = 10240
DEG_PER_TILE = DEG_PAD // NS

_mesh = lambda: plsc.VectorSubcoreMesh(core_axis_name="c", subcore_axis_name="s")


def _deg_body(dst_hbm, out_hbm, idx_v, ones_v, zed_v, deg_sh):
    c = lax.axis_index("c")
    s = lax.axis_index("s")

    def _z(i, _):
        zed_v[pl.ds(i * 16, 16)] = jnp.zeros((16,), jnp.float32)
        return 0
    lax.fori_loop(0, DEG_PER_TILE // 16, _z, 0)
    pltpu.sync_copy(zed_v, deg_sh.at[pl.ds(s * DEG_PER_TILE, DEG_PER_TILE)])

    def _o(i, _):
        ones_v[pl.ds(i * 16, 16)] = jnp.ones((16,), jnp.float32)
        return 0
    lax.fori_loop(0, 128 // 16, _o, 0)

    pltpu.sync_copy(dst_hbm.at[s, pl.ds(c * NBD, NBD)], idx_v)

    plsc.subcore_barrier()

    def _acc(j, _):
        pltpu.sync_copy(ones_v.at[pl.ds(0, B)], deg_sh.at[idx_v.at[j]],
                        add=True)
        return 0
    lax.fori_loop(0, NBD, _acc, 0)

    plsc.subcore_barrier()
    pltpu.sync_copy(deg_sh.at[pl.ds(s * DEG_PER_TILE, DEG_PER_TILE)],
                    out_hbm.at[c, pl.ds(s * DEG_PER_TILE, DEG_PER_TILE)])


def _deg_call(dst3):
    f = functools.partial(
        pl.kernel,
        out_type=jax.ShapeDtypeStruct((NC, DEG_PAD), jnp.float32),
        mesh=_mesh(),
        scratch_types=[
            pltpu.VMEM((NBD, B), jnp.int32),
            pltpu.VMEM((128,), jnp.float32),
            pltpu.VMEM((DEG_PER_TILE,), jnp.float32),
            pltpu.VMEM_SHARED((DEG_PAD,), jnp.float32),
        ],
    )(_deg_body)
    return f(dst3)


def _edge_body(src_hbm, dst_hbm, y_hbm, out_hbm,
               src_v, dst_v, rows_v, sems, y_sh, agg_sh):
    c = lax.axis_index("c")
    s = lax.axis_index("s")

    pltpu.sync_copy(y_hbm.at[c, pl.ds(s * ROWS_PER_TILE, ROWS_PER_TILE)],
                    y_sh.at[pl.ds(s * ROWS_PER_TILE, ROWS_PER_TILE)])

    def _z(i, _):
        rows_v[0, i // 4, pl.ds((i % 4) * 16, 16)] = jnp.zeros((16,),
                                                               jnp.float32)
        return 0
    lax.fori_loop(0, B * (DH // 16), _z, 0)
    for k in range(ROWS_PER_TILE // B):
        pltpu.sync_copy(rows_v.at[0],
                        agg_sh.at[pl.ds(s * ROWS_PER_TILE + k * B, B)])
    rem = ROWS_PER_TILE - (ROWS_PER_TILE // B) * B
    pltpu.sync_copy(
        rows_v.at[0, pl.ds(0, rem)],
        agg_sh.at[pl.ds(s * ROWS_PER_TILE + (ROWS_PER_TILE // B) * B, rem)])

    plsc.subcore_barrier()

    def _gather(j, b):
        pltpu.async_copy(y_sh.at[src_v.at[j]], rows_v.at[b], sems.at[b])

    def _scatter(j, b):
        pltpu.make_async_copy(y_sh.at[src_v.at[j]], rows_v.at[b],
                              sems.at[b]).wait()
        pltpu.sync_copy(rows_v.at[b], agg_sh.at[dst_v.at[j]], add=True)

    for p in range(NBE // STG):
        pltpu.sync_copy(src_hbm.at[s, pl.ds(p * STG, STG)], src_v)
        pltpu.sync_copy(dst_hbm.at[s, pl.ds(p * STG, STG)], dst_v)
        for b in range(NBUF):
            _gather(b, b)

        def _grp(g, _):
            for b in range(NBUF):
                j = g * NBUF + b
                _scatter(j, b)
                _gather(j + NBUF, b)
            return 0
        lax.fori_loop(0, STG // NBUF - 1, _grp, 0)
        for b in range(NBUF):
            _scatter(STG - NBUF + b, b)

    plsc.subcore_barrier()
    pltpu.sync_copy(agg_sh.at[pl.ds(s * ROWS_PER_TILE, ROWS_PER_TILE)],
                    out_hbm.at[c, pl.ds(s * ROWS_PER_TILE, ROWS_PER_TILE)])


def _edge_call(src3, dst3, y):
    f = functools.partial(
        pl.kernel,
        out_type=jax.ShapeDtypeStruct((NC, N_PAD, DH), jnp.float32),
        mesh=_mesh(),
        scratch_types=[
            pltpu.VMEM((STG, B), jnp.int32),
            pltpu.VMEM((STG, B), jnp.int32),
            pltpu.VMEM((NBUF, B, DH), jnp.float32),
            pltpu.SemaphoreType.DMA((NBUF,)),
            pltpu.VMEM_SHARED((N_PAD, DH), jnp.float32),
            pltpu.VMEM_SHARED((N_PAD, DH), jnp.float32),
        ],
        compiler_params=pltpu.CompilerParams(use_tc_tiling_on_sc=False),
    )(_edge_body)
    return f(src3, dst3, y)


RB = 2048


def _deg_slice(degp_ref, i):
    st = pl.multiple_of(i * RB, 128)
    deg = degp_ref[0, pl.ds(st, RB)] + degp_ref[1, pl.ds(st, RB)] + 1.0
    return lax.rsqrt(deg)


def _mm_body(x_ref, w_ref, degp_ref, y_ref):
    dinv = _deg_slice(degp_ref, pl.program_id(0))
    xw = jnp.dot(x_ref[...], w_ref[...], preferred_element_type=jnp.float32)
    y = xw * dinv[:, None]
    y_ref[0] = y[:, :DH]
    y_ref[1] = y[:, DH:]


def _mm_call(x_p, W, degp):
    return pl.pallas_call(
        _mm_body,
        grid=(N_PAD // RB,),
        in_specs=[
            pl.BlockSpec((RB, D), lambda i: (i, 0)),
            pl.BlockSpec((D, D), lambda i: (0, 0)),
            pl.BlockSpec((NC, DEG_PAD), lambda i: (0, 0)),
        ],
        out_specs=pl.BlockSpec((NC, RB, DH), lambda i: (0, i, 0)),
        out_shape=jax.ShapeDtypeStruct((NC, N_PAD, DH), jnp.float32),
    )(x_p, W, degp)


def _fin_body(p_ref, y_ref, degp_ref, b_ref, g_ref, be_ref, o_ref):
    dinv = _deg_slice(degp_ref, pl.program_id(0))
    p = jnp.concatenate([p_ref[0], p_ref[1]], axis=-1)
    y = jnp.concatenate([y_ref[0], y_ref[1]], axis=-1)
    t = (p + y) * dinv[:, None] + b_ref[...]
    mean = jnp.mean(t, axis=-1, keepdims=True)
    var = jnp.mean((t - mean) ** 2, axis=-1, keepdims=True)
    o_ref[...] = (t - mean) / jnp.sqrt(var + 1e-5) * g_ref[...] + be_ref[...]


def _fin_call(P, y, degp, b, gamma, beta):
    return pl.pallas_call(
        _fin_body,
        grid=(N_PAD // RB,),
        in_specs=[
            pl.BlockSpec((NC, RB, DH), lambda i: (0, i, 0)),
            pl.BlockSpec((NC, RB, DH), lambda i: (0, i, 0)),
            pl.BlockSpec((NC, DEG_PAD), lambda i: (0, 0)),
            pl.BlockSpec((D,), lambda i: (0,)),
            pl.BlockSpec((D,), lambda i: (0,)),
            pl.BlockSpec((D,), lambda i: (0,)),
        ],
        out_specs=pl.BlockSpec((RB, D), lambda i: (i, 0)),
        out_shape=jax.ShapeDtypeStruct((N_NODES, D), jnp.float32),
    )(P, y, degp, b, gamma, beta)


def kernel(x, edge_index, W, b, gamma, beta):
    ei = edge_index.astype(jnp.int32)
    src3 = ei[0].reshape(NS, NBE, B)
    dst3 = ei[1].reshape(NS, NBE, B)
    x_p = jnp.concatenate(
        [x, jnp.zeros((N_PAD - N_NODES, D), jnp.float32)])
    degp = _deg_call(dst3)
    y = _mm_call(x_p, W, degp)
    P = _edge_call(src3, dst3, y)
    return _fin_call(P, y, degp, b, gamma, beta)

# --- scband reference (transcript-rebuilt; emitter-appended) ---
"""Pipeline reference for scband-gnnconv-18399639896341 (READ-ONLY COPY).

The authoritative reference and input builder live on the scoring server;
editing this copy changes nothing except your own understanding.
"""

import jax, jax.numpy as jnp
import numpy as np

N_NODES = 10000
N_EDGES = 320000
D_IN = 128
D_OUT = 128

def setup_inputs(seed: int = 0) -> dict:
    key = jax.random.key(seed)
    k1, k2, k3, k4 = jax.random.split(key, 4)
    x = jax.random.normal(k1, (N_NODES, D_IN), dtype=jnp.float32)
    edge_index = jax.random.randint(k2, (2, N_EDGES), 0, N_NODES, dtype=jnp.int64)
    # GCNConv linear weight (glorot-like) and bias
    W = jax.random.normal(k3, (D_IN, D_OUT), dtype=jnp.float32) * (1.0 / np.sqrt(D_IN))
    b = jnp.zeros((D_OUT,), dtype=jnp.float32)
    # LayerNorm params
    gamma = jnp.ones((D_OUT,), dtype=jnp.float32)
    beta = jnp.zeros((D_OUT,), dtype=jnp.float32)
    return {"x": x, "edge_index": edge_index, "W": W, "b": b, "gamma": gamma, "beta": beta}


def reference(x, edge_index, W, b, gamma, beta):
    # GCNConv (PyG semantics): add self loops, symmetric normalization,
    # x' = D^{-1/2} (A+I) D^{-1/2} X W + bias, then LayerNorm (transductive task).
    N = x.shape[0]
    src = edge_index[0]
    dst = edge_index[1]
    loop = jnp.arange(N, dtype=src.dtype)
    src = jnp.concatenate([src, loop])
    dst = jnp.concatenate([dst, loop])
    xw = x @ W
    # degree on destination nodes (edge_weight = 1)
    deg = jnp.zeros((N,), dtype=xw.dtype).at[dst].add(1.0)
    deg_inv_sqrt = jnp.where(deg > 0, jax.lax.rsqrt(deg), 0.0)
    norm = deg_inv_sqrt[src] * deg_inv_sqrt[dst]
    msg = xw[src] * norm[:, None]
    agg = jnp.zeros_like(xw).at[dst].add(msg)
    out = agg + b
    # LayerNorm over last dim, eps=1e-5 (torch default)
    mean = jnp.mean(out, axis=-1, keepdims=True)
    var = jnp.mean((out - mean) ** 2, axis=-1, keepdims=True)
    out = (out - mean) / jnp.sqrt(var + 1e-5) * gamma + beta
    return out

if __name__ == "__main__":
    import jax
    _d = setup_inputs()
    print(jax.jit(kernel)(*tuple(_d.values())))

</pallas_src>

<mosaic_0001>
#map = affine_map<(d0, d1) -> (0, 0, 0)>
module attributes {stable_mosaic.version = 14 : i64} {
  func.func @_edge_body(%arg0: i32, %arg1: i32, %arg2: memref<16x160x125xi32, #tpu.memory_space<hbm>>, %arg3: memref<16x160x125xi32, #tpu.memory_space<hbm>>, %arg4: memref<2x10240x64xf32, #tpu.memory_space<hbm>>, %arg5: memref<2x10240x64xf32, #tpu.memory_space<hbm>>, %arg6: memref<80x125xi32, #tpu.memory_space<vmem>>, %arg7: memref<80x125xi32, #tpu.memory_space<vmem>>, %arg8: memref<2x125x64xf32, #tpu.memory_space<vmem>>, %arg9: memref<2x!tpu.dma_semaphore, #tpu.memory_space<semaphore_mem>>, %arg10: memref<10240x64xf32, #tpu.memory_space<vmem_shared>>, %arg11: memref<10240x64xf32, #tpu.memory_space<vmem_shared>>) attributes {dimension_semantics = [#tpu.dimension_semantics<core_parallel>, #tpu.dimension_semantics<subcore_parallel>], iteration_bounds = array<i64: 2, 16>, scalar_prefetch = 0 : i64, scratch_operands = 6 : i64, tpu.core_type = #tpu.core_type<sc_vector_subcore>, window_params = [{transform_indices = #map}, {transform_indices = #map}, {transform_indices = #map}, {transform_indices = #map}]} {
    %mul3A = arith.constant 640 : i32
    %mul3A_0 = arith.muli %arg1, %mul3A : i32
    %mul3A_1 = arith.constant 640 : i32
    %mul3A_2 = arith.muli %arg1, %mul3A_1 : i32
    "tpu.region"() ({
      %run_scoped3A_182 = tpu.sem_alloc : memref<!tpu.dma_semaphore, #tpu.memory_space<semaphore_mem>>
      %dma_start3A_183 = arith.constant 0 : i32
      %dma_start3A_184 = tpu.memref_slice %arg10[%mul3A_2, %dma_start3A_183] : memref<10240x64xf32, #tpu.memory_space<vmem_shared>> -> memref<640x64xf32, #tpu.memory_space<vmem_shared>>
      %dma_start3A_185 = arith.constant 0 : i32
      %dma_start3A_186 = tpu.memref_slice %arg4[%arg0, %mul3A_0, %dma_start3A_185] : memref<2x10240x64xf32, #tpu.memory_space<hbm>> -> memref<1x640x64xf32, #tpu.memory_space<hbm>>
      %dma_start3A_187 = tpu.memref_squeeze %dma_start3A_186 : memref<1x640x64xf32, #tpu.memory_space<hbm>> -> memref<640x64xf32, #tpu.memory_space<hbm>>
      tpu.enqueue_dma source(%dma_start3A_187 : memref<640x64xf32, #tpu.memory_space<hbm>>) target(%dma_start3A_184 : memref<640x64xf32, #tpu.memory_space<vmem_shared>>) target_semaphore(%run_scoped3A_182 : memref<!tpu.dma_semaphore, #tpu.memory_space<semaphore_mem>>)
      %dma_wait3A_188 = arith.constant 0 : i32
      %dma_wait3A_189 = tpu.memref_slice %arg10[%mul3A_2, %dma_wait3A_188] : memref<10240x64xf32, #tpu.memory_space<vmem_shared>> -> memref<640x64xf32, #tpu.memory_space<vmem_shared>>
      %dma_wait3A_190 = arith.constant 0 : i32
      %dma_wait3A_191 = tpu.memref_slice %arg4[%arg0, %mul3A_0, %dma_wait3A_190] : memref<2x10240x64xf32, #tpu.memory_space<hbm>> -> memref<1x640x64xf32, #tpu.memory_space<hbm>>
      %dma_wait3A_192 = tpu.memref_squeeze %dma_wait3A_191 : memref<1x640x64xf32, #tpu.memory_space<hbm>> -> memref<640x64xf32, #tpu.memory_space<hbm>>
      tpu.wait_dma2 semaphore(%run_scoped3A_182 : memref<!tpu.dma_semaphore, #tpu.memory_space<semaphore_mem>>) src(%dma_wait3A_192 : memref<640x64xf32, #tpu.memory_space<hbm>>) dst(%dma_wait3A_189 : memref<640x64xf32, #tpu.memory_space<vmem_shared>>)
      tpu.yield
    }) : () -> ()
    %scan3A = arith.constant 0 : i32
    %scan3A_3 = arith.constant 0 : i32
    %scan3A_4 = arith.constant 500 : i32
    %scan3A_5 = arith.addi %scan3A_3, %scan3A_4 : i32
    %scan3A_6 = arith.constant 1 : i32
    %scan3A_7 = scf.for %scan3A_182 = %scan3A_3 to %scan3A_5 step %scan3A_6 iter_args(%scan3A_183 = %scan3A) -> (i32)  : i32 {
      %broadcast_in_dim3A = arith.constant 0.000000e+00 : f32
      %broadcast_in_dim3A_184 = vector.broadcast %broadcast_in_dim3A : f32 to vector<16xf32>
      %jit3A = arith.constant 4 : i32
      %div3A = arith.divsi %scan3A_182, %jit3A : i32
      %sign3A = arith.constant 0 : i32
      %sign3A_185 = arith.cmpi sgt, %scan3A_182, %sign3A : i32
      %sign3A_186 = arith.extui %sign3A_185 : i1 to i32
      %sign3A_187 = arith.constant 0 : i32
      %sign3A_188 = arith.cmpi slt, %scan3A_182, %sign3A_187 : i32
      %sign3A_189 = arith.extui %sign3A_188 : i1 to i32
      %sign3A_190 = arith.subi %sign3A_186, %sign3A_189 : i32
      %sign3A_191 = arith.constant 0 : i32
      %sign3A_192 = arith.cmpi sgt, %jit3A, %sign3A_191 : i32
      %sign3A_193 = arith.extui %sign3A_192 : i1 to i32
      %sign3A_194 = arith.constant 0 : i32
      %sign3A_195 = arith.cmpi slt, %jit3A, %sign3A_194 : i32
      %sign3A_196 = arith.extui %sign3A_195 : i1 to i32
      %sign3A_197 = arith.subi %sign3A_193, %sign3A_196 : i32
      %ne3A = arith.cmpi ne, %sign3A_190, %sign3A_197 : i32
      %rem3A = arith.remsi %scan3A_182, %jit3A : i32
      %ne3A_198 = arith.constant 0 : i32
      %ne3A_199 = arith.cmpi ne, %rem3A, %ne3A_198 : i32
      %and3A = arith.andi %ne3A, %ne3A_199 : i1
      %sub3A = arith.constant 1 : i32
      %sub3A_200 = arith.subi %div3A, %sub3A : i32
      %select_n3A = arith.select %and3A, %sub3A_200, %div3A : i32
      %jit3A_201 = arith.constant 4 : i32
      %eq3A = arith.constant 0 : i32
      %eq3A_202 = arith.cmpi eq, %jit3A_201, %eq3A : i32
      %jit3A_203 = arith.constant 1 : i32
      %select_n3A_204 = arith.select %eq3A_202, %jit3A_203, %jit3A_201 : i32
      %rem3A_205 = arith.remsi %scan3A_182, %select_n3A_204 : i32
      %ne3A_206 = arith.constant 0 : i32
      %ne3A_207 = arith.cmpi ne, %rem3A_205, %ne3A_206 : i32
      %lt3A = arith.constant 0 : i32
      %lt3A_208 = arith.cmpi slt, %rem3A_205, %lt3A : i32
      %lt3A_209 = arith.constant 0 : i32
      %lt3A_210 = arith.cmpi slt, %select_n3A_204, %lt3A_209 : i32
      %ne3A_211 = arith.xori %lt3A_208, %lt3A_210 : i1
      %and3A_212 = arith.andi %ne3A_211, %ne3A_207 : i1
      %add3A_213 = arith.addi %rem3A_205, %select_n3A_204 : i32
      %select_n3A_214 = arith.select %and3A_212, %add3A_213, %rem3A_205 : i32
      %mul3A_215 = arith.constant 16 : i32
      %mul3A_216 = arith.muli %select_n3A_214, %mul3A_215 : i32
      %swap3A = arith.constant 0 : i32
      %swap3A_217 = arith.index_cast %swap3A : i32 to index
      %swap3A_218 = arith.index_cast %select_n3A : i32 to index
      %swap3A_219 = arith.index_cast %mul3A_216 : i32 to index
      %swap3A_220 = tpu.vector_load %arg8[%swap3A_217, %swap3A_218, %swap3A_219] {strides = array<i32>} : memref<2x125x64xf32, #tpu.memory_space<vmem>>, vector<1x1x16xf32>,
      %swap3A_221 = vector.shape_cast %swap3A_220 : vector<1x1x16xf32> to vector<16xf32>
      %swap3A_222 = vector.shape_cast %broadcast_in_dim3A_184 : vector<16xf32> to vector<1x1x16xf32>
      tpu.vector_store %arg8[%swap3A_217, %swap3A_218, %swap3A_219], %swap3A_222 {strides = array<i32>} : memref<2x125x64xf32, #tpu.memory_space<vmem>>, vector<1x1x16xf32>,
      %scan3A_223 = arith.constant 0 : i32
      scf.yield %scan3A_223 : i32
    }
    %scan3A_8 = arith.constant 500 : i32
    %mul3A_9 = arith.constant 640 : i32
    %mul3A_10 = arith.muli %arg1, %mul3A_9 : i32
    %add3A = arith.constant 0 : i32
    %add3A_11 = arith.addi %mul3A_10, %add3A : i32
    %run_scoped3A = arith.constant 0 : i32
    "tpu.region"() ({
      %run_scoped3A_182 = tpu.sem_alloc : memref<!tpu.dma_semaphore, #tpu.memory_space<semaphore_mem>>
      %dma_start3A_183 = arith.constant 0 : i32
      %dma_start3A_184 = arith.constant 0 : i32
      %dma_start3A_185 = tpu.memref_slice %arg8[%run_scoped3A, %dma_start3A_183, %dma_start3A_184] : memref<2x125x64xf32, #tpu.memory_space<vmem>> -> memref<1x125x64xf32, #tpu.memory_space<vmem>>
      %dma_start3A_186 = tpu.memref_squeeze %dma_start3A_185 : memref<1x125x64xf32, #tpu.memory_space<vmem>> -> memref<125x64xf32, #tpu.memory_space<vmem>>
      %dma_start3A_187 = arith.constant 0 : i32
      %dma_start3A_188 = tpu.memref_slice %arg11[%add3A_11, %dma_start3A_187] : memref<10240x64xf32, #tpu.memory_space<vmem_shared>> -> memref<125x64xf32, #tpu.memory_space<vmem_shared>>
      %dma_start3A_189 = arith.constant 0 : i32
      %dma_start3A_190 = tpu.memref_slice %arg11[%add3A_11, %dma_start3A_189] : memref<10240x64xf32, #tpu.memory_space<vmem_shared>> -> memref<125x64xf32, #tpu.memory_space<vmem_shared>>
      %dma_start3A_191 = arith.constant 0 : i32
      %dma_start3A_192 = arith.constant 0 : i32
      %dma_start3A_193 = tpu.memref_slice %arg8[%run_scoped3A, %dma_start3A_191, %dma_start3A_192] : memref<2x125x64xf32, #tpu.memory_space<vmem>> -> memref<1x125x64xf32, #tpu.memory_space<vmem>>
      %dma_start3A_194 = tpu.memref_squeeze %dma_start3A_193 : memref<1x125x64xf32, #tpu.memory_space<vmem>> -> memref<125x64xf32, #tpu.memory_space<vmem>>
      tpu.enqueue_dma source(%dma_start3A_194 : memref<125x64xf32, #tpu.memory_space<vmem>>) target(%dma_start3A_190 : memref<125x64xf32, #tpu.memory_space<vmem_shared>>) target_semaphore(%run_scoped3A_182 : memref<!tpu.dma_semaphore, #tpu.memory_space<semaphore_mem>>)
      %dma_wait3A_195 = arith.constant 0 : i32
      %dma_wait3A_196 = arith.constant 0 : i32
      %dma_wait3A_197 = tpu.memref_slice %arg8[%run_scoped3A, %dma_wait3A_195, %dma_wait3A_196] : memref<2x125x64xf32, #tpu.memory_space<vmem>> -> memref<1x125x64xf32, #tpu.memory_space<vmem>>
      %dma_wait3A_198 = tpu.memref_squeeze %dma_wait3A_197 : memref<1x125x64xf32, #tpu.memory_space<vmem>> -> memref<125x64xf32, #tpu.memory_space<vmem>>
      %dma_wait3A_199 = arith.constant 0 : i32
      %dma_wait3A_200 = tpu.memref_slice %arg11[%add3A_11, %dma_wait3A_199] : memref<10240x64xf32, #tpu.memory_space<vmem_shared>> -> memref<125x64xf32, #tpu.memory_space<vmem_shared>>
      %dma_wait3A_201 = arith.constant 0 : i32
      %dma_wait3A_202 = tpu.memref_slice %arg11[%add3A_11, %dma_wait3A_201] : memref<10240x64xf32, #tpu.memory_space<vmem_shared>> -> memref<125x64xf32, #tpu.memory_space<vmem_shared>>
      %dma_wait3A_203 = arith.constant 0 : i32
      %dma_wait3A_204 = arith.constant 0 : i32
      %dma_wait3A_205 = tpu.memref_slice %arg8[%run_scoped3A, %dma_wait3A_203, %dma_wait3A_204] : memref<2x125x64xf32, #tpu.memory_space<vmem>> -> memref<1x125x64xf32, #tpu.memory_space<vmem>>
      %dma_wait3A_206 = tpu.memref_squeeze %dma_wait3A_205 : memref<1x125x64xf32, #tpu.memory_space<vmem>> -> memref<125x64xf32, #tpu.memory_space<vmem>>
      tpu.wait_dma2 semaphore(%run_scoped3A_182 : memref<!tpu.dma_semaphore, #tpu.memory_space<semaphore_mem>>) src(%dma_wait3A_206 : memref<125x64xf32, #tpu.memory_space<vmem>>) dst(%dma_wait3A_202 : memref<125x64xf32, #tpu.memory_space<vmem_shared>>)
      tpu.yield
    }) : () -> ()
    %mul3A_12 = arith.constant 640 : i32
    %mul3A_13 = arith.muli %arg1, %mul3A_12 : i32
    %add3A_14 = arith.constant 125 : i32
    %add3A_15 = arith.addi %mul3A_13, %add3A_14 : i32
    %run_scoped3A_16 = arith.constant 0 : i32
    "tpu.region"() ({
      %run_scoped3A_182 = tpu.sem_alloc : memref<!tpu.dma_semaphore, #tpu.memory_space<semaphore_mem>>
      %dma_start3A_183 = arith.constant 0 : i32
      %dma_start3A_184 = arith.constant 0 : i32
      %dma_start3A_185 = tpu.memref_slice %arg8[%run_scoped3A_16, %dma_start3A_183, %dma_start3A_184] : memref<2x125x64xf32, #tpu.memory_space<vmem>> -> memref<1x125x64xf32, #tpu.memory_space<vmem>>
      %dma_start3A_186 = tpu.memref_squeeze %dma_start3A_185 : memref<1x125x64xf32, #tpu.memory_space<vmem>> -> memref<125x64xf32, #tpu.memory_space<vmem>>
      %dma_start3A_187 = arith.constant 0 : i32
      %dma_start3A_188 = tpu.memref_slice %arg11[%add3A_15, %dma_start3A_187] : memref<10240x64xf32, #tpu.memory_space<vmem_shared>> -> memref<125x64xf32, #tpu.memory_space<vmem_shared>>
      %dma_start3A_189 = arith.constant 0 : i32
      %dma_start3A_190 = tpu.memref_slice %arg11[%add3A_15, %dma_start3A_189] : memref<10240x64xf32, #tpu.memory_space<vmem_shared>> -> memref<125x64xf32, #tpu.memory_space<vmem_shared>>
      %dma_start3A_191 = arith.constant 0 : i32
      %dma_start3A_192 = arith.constant 0 : i32
      %dma_start3A_193 = tpu.memref_slice %arg8[%run_scoped3A_16, %dma_start3A_191, %dma_start3A_192] : memref<2x125x64xf32, #tpu.memory_space<vmem>> -> memref<1x125x64xf32, #tpu.memory_space<vmem>>
      %dma_start3A_194 = tpu.memref_squeeze %dma_start3A_193 : memref<1x125x64xf32, #tpu.memory_space<vmem>> -> memref<125x64xf32, #tpu.memory_space<vmem>>
      tpu.enqueue_dma source(%dma_start3A_194 : memref<125x64xf32, #tpu.memory_space<vmem>>) target(%dma_start3A_190 : memref<125x64xf32, #tpu.memory_space<vmem_shared>>) target_semaphore(%run_scoped3A_182 : memref<!tpu.dma_semaphore, #tpu.memory_space<semaphore_mem>>)
      %dma_wait3A_195 = arith.constant 0 : i32
      %dma_wait3A_196 = arith.constant 0 : i32
      %dma_wait3A_197 = tpu.memref_slice %arg8[%run_scoped3A_16, %dma_wait3A_195, %dma_wait3A_196] : memref<2x125x64xf32, #tpu.memory_space<vmem>> -> memref<1x125x64xf32, #tpu.memory_space<vmem>>
      %dma_wait3A_198 = tpu.memref_squeeze %dma_wait3A_197 : memref<1x125x64xf32, #tpu.memory_space<vmem>> -> memref<125x64xf32, #tpu.memory_space<vmem>>
      %dma_wait3A_199 = arith.constant 0 : i32
      %dma_wait3A_200 = tpu.memref_slice %arg11[%add3A_15, %dma_wait3A_199] : memref<10240x64xf32, #tpu.memory_space<vmem_shared>> -> memref<125x64xf32, #tpu.memory_space<vmem_shared>>
      %dma_wait3A_201 = arith.constant 0 : i32
      %dma_wait3A_202 = tpu.memref_slice %arg11[%add3A_15, %dma_wait3A_201] : memref<10240x64xf32, #tpu.memory_space<vmem_shared>> -> memref<125x64xf32, #tpu.memory_space<vmem_shared>>
      %dma_wait3A_203 = arith.constant 0 : i32
      %dma_wait3A_204 = arith.constant 0 : i32
      %dma_wait3A_205 = tpu.memref_slice %arg8[%run_scoped3A_16, %dma_wait3A_203, %dma_wait3A_204] : memref<2x125x64xf32, #tpu.memory_space<vmem>> -> memref<1x125x64xf32, #tpu.memory_space<vmem>>
      %dma_wait3A_206 = tpu.memref_squeeze %dma_wait3A_205 : memref<1x125x64xf32, #tpu.memory_space<vmem>> -> memref<125x64xf32, #tpu.memory_space<vmem>>
      tpu.wait_dma2 semaphore(%run_scoped3A_182 : memref<!tpu.dma_semaphore, #tpu.memory_space<semaphore_mem>>) src(%dma_wait3A_206 : memref<125x64xf32, #tpu.memory_space<vmem>>) dst(%dma_wait3A_202 : memref<125x64xf32, #tpu.memory_space<vmem_shared>>)
      tpu.yield
    }) : () -> ()
    %mul3A_17 = arith.constant 640 : i32
    %mul3A_18 = arith.muli %arg1, %mul3A_17 : i32
    %add3A_19 = arith.constant 250 : i32
    %add3A_20 = arith.addi %mul3A_18, %add3A_19 : i32
    %run_scoped3A_21 = arith.constant 0 : i32
    "tpu.region"() ({
      %run_scoped3A_182 = tpu.sem_alloc : memref<!tpu.dma_semaphore, #tpu.memory_space<semaphore_mem>>
      %dma_start3A_183 = arith.constant 0 : i32
      %dma_start3A_184 = arith.constant 0 : i32
      %dma_start3A_185 = tpu.memref_slice %arg8[%run_scoped3A_21, %dma_start3A_183, %dma_start3A_184] : memref<2x125x64xf32, #tpu.memory_space<vmem>> -> memref<1x125x64xf32, #tpu.memory_space<vmem>>
      %dma_start3A_186 = tpu.memref_squeeze %dma_start3A_185 : memref<1x125x64xf32, #tpu.memory_space<vmem>> -> memref<125x64xf32, #tpu.memory_space<vmem>>
      %dma_start3A_187 = arith.constant 0 : i32
      %dma_start3A_188 = tpu.memref_slice %arg11[%add3A_20, %dma_start3A_187] : memref<10240x64xf32, #tpu.memory_space<vmem_shared>> -> memref<125x64xf32, #tpu.memory_space<vmem_shared>>
      %dma_start3A_189 = arith.constant 0 : i32
      %dma_start3A_190 = tpu.memref_slice %arg11[%add3A_20, %dma_start3A_189] : memref<10240x64xf32, #tpu.memory_space<vmem_shared>> -> memref<125x64xf32, #tpu.memory_space<vmem_shared>>
      %dma_start3A_191 = arith.constant 0 : i32
      %dma_start3A_192 = arith.constant 0 : i32
      %dma_start3A_193 = tpu.memref_slice %arg8[%run_scoped3A_21, %dma_start3A_191, %dma_start3A_192] : memref<2x125x64xf32, #tpu.memory_space<vmem>> -> memref<1x125x64xf32, #tpu.memory_space<vmem>>
      %dma_start3A_194 = tpu.memref_squeeze %dma_start3A_193 : memref<1x125x64xf32, #tpu.memory_space<vmem>> -> memref<125x64xf32, #tpu.memory_space<vmem>>
      tpu.enqueue_dma source(%dma_start3A_194 : memref<125x64xf32, #tpu.memory_space<vmem>>) target(%dma_start3A_190 : memref<125x64xf32, #tpu.memory_space<vmem_shared>>) target_semaphore(%run_scoped3A_182 : memref<!tpu.dma_semaphore, #tpu.memory_space<semaphore_mem>>)
      %dma_wait3A_195 = arith.constant 0 : i32
      %dma_wait3A_196 = arith.constant 0 : i32
      %dma_wait3A_197 = tpu.memref_slice %arg8[%run_scoped3A_21, %dma_wait3A_195, %dma_wait3A_196] : memref<2x125x64xf32, #tpu.memory_space<vmem>> -> memref<1x125x64xf32, #tpu.memory_space<vmem>>
      %dma_wait3A_198 = tpu.memref_squeeze %dma_wait3A_197 : memref<1x125x64xf32, #tpu.memory_space<vmem>> -> memref<125x64xf32, #tpu.memory_space<vmem>>
      %dma_wait3A_199 = arith.constant 0 : i32
      %dma_wait3A_200 = tpu.memref_slice %arg11[%add3A_20, %dma_wait3A_199] : memref<10240x64xf32, #tpu.memory_space<vmem_shared>> -> memref<125x64xf32, #tpu.memory_space<vmem_shared>>
      %dma_wait3A_201 = arith.constant 0 : i32
      %dma_wait3A_202 = tpu.memref_slice %arg11[%add3A_20, %dma_wait3A_201] : memref<10240x64xf32, #tpu.memory_space<vmem_shared>> -> memref<125x64xf32, #tpu.memory_space<vmem_shared>>
      %dma_wait3A_203 = arith.constant 0 : i32
      %dma_wait3A_204 = arith.constant 0 : i32
      %dma_wait3A_205 = tpu.memref_slice %arg8[%run_scoped3A_21, %dma_wait3A_203, %dma_wait3A_204] : memref<2x125x64xf32, #tpu.memory_space<vmem>> -> memref<1x125x64xf32, #tpu.memory_space<vmem>>
      %dma_wait3A_206 = tpu.memref_squeeze %dma_wait3A_205 : memref<1x125x64xf32, #tpu.memory_space<vmem>> -> memref<125x64xf32, #tpu.memory_space<vmem>>
      tpu.wait_dma2 semaphore(%run_scoped3A_182 : memref<!tpu.dma_semaphore, #tpu.memory_space<semaphore_mem>>) src(%dma_wait3A_206 : memref<125x64xf32, #tpu.memory_space<vmem>>) dst(%dma_wait3A_202 : memref<125x64xf32, #tpu.memory_space<vmem_shared>>)
      tpu.yield
    }) : () -> ()
    %mul3A_22 = arith.constant 640 : i32
    %mul3A_23 = arith.muli %arg1, %mul3A_22 : i32
    %add3A_24 = arith.constant 375 : i32
    %add3A_25 = arith.addi %mul3A_23, %add3A_24 : i32
    %run_scoped3A_26 = arith.constant 0 : i32
    "tpu.region"() ({
      %run_scoped3A_182 = tpu.sem_alloc : memref<!tpu.dma_semaphore, #tpu.memory_space<semaphore_mem>>
      %dma_start3A_183 = arith.constant 0 : i32
      %dma_start3A_184 = arith.constant 0 : i32
      %dma_start3A_185 = tpu.memref_slice %arg8[%run_scoped3A_26, %dma_start3A_183, %dma_start3A_184] : memref<2x125x64xf32, #tpu.memory_space<vmem>> -> memref<1x125x64xf32, #tpu.memory_space<vmem>>
      %dma_start3A_186 = tpu.memref_squeeze %dma_start3A_185 : memref<1x125x64xf32, #tpu.memory_space<vmem>> -> memref<125x64xf32, #tpu.memory_space<vmem>>
      %dma_start3A_187 = arith.constant 0 : i32
      %dma_start3A_188 = tpu.memref_slice %arg11[%add3A_25, %dma_start3A_187] : memref<10240x64xf32, #tpu.memory_space<vmem_shared>> -> memref<125x64xf32, #tpu.memory_space<vmem_shared>>
      %dma_start3A_189 = arith.constant 0 : i32
      %dma_start3A_190 = tpu.memref_slice %arg11[%add3A_25, %dma_start3A_189] : memref<10240x64xf32, #tpu.memory_space<vmem_shared>> -> memref<125x64xf32, #tpu.memory_space<vmem_shared>>
      %dma_start3A_191 = arith.constant 0 : i32
      %dma_start3A_192 = arith.constant 0 : i32
      %dma_start3A_193 = tpu.memref_slice %arg8[%run_scoped3A_26, %dma_start3A_191, %dma_start3A_192] : memref<2x125x64xf32, #tpu.memory_space<vmem>> -> memref<1x125x64xf32, #tpu.memory_space<vmem>>
      %dma_start3A_194 = tpu.memref_squeeze %dma_start3A_193 : memref<1x125x64xf32, #tpu.memory_space<vmem>> -> memref<125x64xf32, #tpu.memory_space<vmem>>
      tpu.enqueue_dma source(%dma_start3A_194 : memref<125x64xf32, #tpu.memory_space<vmem>>) target(%dma_start3A_190 : memref<125x64xf32, #tpu.memory_space<vmem_shared>>) target_semaphore(%run_scoped3A_182 : memref<!tpu.dma_semaphore, #tpu.memory_space<semaphore_mem>>)
      %dma_wait3A_195 = arith.constant 0 : i32
      %dma_wait3A_196 = arith.constant 0 : i32
      %dma_wait3A_197 = tpu.memref_slice %arg8[%run_scoped3A_26, %dma_wait3A_195, %dma_wait3A_196] : memref<2x125x64xf32, #tpu.memory_space<vmem>> -> memref<1x125x64xf32, #tpu.memory_space<vmem>>
      %dma_wait3A_198 = tpu.memref_squeeze %dma_wait3A_197 : memref<1x125x64xf32, #tpu.memory_space<vmem>> -> memref<125x64xf32, #tpu.memory_space<vmem>>
      %dma_wait3A_199 = arith.constant 0 : i32
      %dma_wait3A_200 = tpu.memref_slice %arg11[%add3A_25, %dma_wait3A_199] : memref<10240x64xf32, #tpu.memory_space<vmem_shared>> -> memref<125x64xf32, #tpu.memory_space<vmem_shared>>
      %dma_wait3A_201 = arith.constant 0 : i32
      %dma_wait3A_202 = tpu.memref_slice %arg11[%add3A_25, %dma_wait3A_201] : memref<10240x64xf32, #tpu.memory_space<vmem_shared>> -> memref<125x64xf32, #tpu.memory_space<vmem_shared>>
      %dma_wait3A_203 = arith.constant 0 : i32
      %dma_wait3A_204 = arith.constant 0 : i32
      %dma_wait3A_205 = tpu.memref_slice %arg8[%run_scoped3A_26, %dma_wait3A_203, %dma_wait3A_204] : memref<2x125x64xf32, #tpu.memory_space<vmem>> -> memref<1x125x64xf32, #tpu.memory_space<vmem>>
      %dma_wait3A_206 = tpu.memref_squeeze %dma_wait3A_205 : memref<1x125x64xf32, #tpu.memory_space<vmem>> -> memref<125x64xf32, #tpu.memory_space<vmem>>
      tpu.wait_dma2 semaphore(%run_scoped3A_182 : memref<!tpu.dma_semaphore, #tpu.memory_space<semaphore_mem>>) src(%dma_wait3A_206 : memref<125x64xf32, #tpu.memory_space<vmem>>) dst(%dma_wait3A_202 : memref<125x64xf32, #tpu.memory_space<vmem_shared>>)
      tpu.yield
    }) : () -> ()
    %mul3A_27 = arith.constant 640 : i32
    %mul3A_28 = arith.muli %arg1, %mul3A_27 : i32
    %add3A_29 = arith.constant 500 : i32
    %add3A_30 = arith.addi %mul3A_28, %add3A_29 : i32
    %run_scoped3A_31 = arith.constant 0 : i32
    "tpu.region"() ({
      %run_scoped3A_182 = tpu.sem_alloc : memref<!tpu.dma_semaphore, #tpu.memory_space<semaphore_mem>>
      %dma_start3A_183 = arith.constant 0 : i32
      %dma_start3A_184 = arith.constant 0 : i32
      %dma_start3A_185 = tpu.memref_slice %arg8[%run_scoped3A_31, %dma_start3A_183, %dma_start3A_184] : memref<2x125x64xf32, #tpu.memory_space<vmem>> -> memref<1x125x64xf32, #tpu.memory_space<vmem>>
      %dma_start3A_186 = tpu.memref_squeeze %dma_start3A_185 : memref<1x125x64xf32, #tpu.memory_space<vmem>> -> memref<125x64xf32, #tpu.memory_space<vmem>>
      %dma_start3A_187 = arith.constant 0 : i32
      %dma_start3A_188 = tpu.memref_slice %arg11[%add3A_30, %dma_start3A_187] : memref<10240x64xf32, #tpu.memory_space<vmem_shared>> -> memref<125x64xf32, #tpu.memory_space<vmem_shared>>
      %dma_start3A_189 = arith.constant 0 : i32
      %dma_start3A_190 = tpu.memref_slice %arg11[%add3A_30, %dma_start3A_189] : memref<10240x64xf32, #tpu.memory_space<vmem_shared>> -> memref<125x64xf32, #tpu.memory_space<vmem_shared>>
      %dma_start3A_191 = arith.constant 0 : i32
      %dma_start3A_192 = arith.constant 0 : i32
      %dma_start3A_193 = tpu.memref_slice %arg8[%run_scoped3A_31, %dma_start3A_191, %dma_start3A_192] : memref<2x125x64xf32, #tpu.memory_space<vmem>> -> memref<1x125x64xf32, #tpu.memory_space<vmem>>
      %dma_start3A_194 = tpu.memref_squeeze %dma_start3A_193 : memref<1x125x64xf32, #tpu.memory_space<vmem>> -> memref<125x64xf32, #tpu.memory_space<vmem>>
      tpu.enqueue_dma source(%dma_start3A_194 : memref<125x64xf32, #tpu.memory_space<vmem>>) target(%dma_start3A_190 : memref<125x64xf32, #tpu.memory_space<vmem_shared>>) target_semaphore(%run_scoped3A_182 : memref<!tpu.dma_semaphore, #tpu.memory_space<semaphore_mem>>)
      %dma_wait3A_195 = arith.constant 0 : i32
      %dma_wait3A_196 = arith.constant 0 : i32
      %dma_wait3A_197 = tpu.memref_slice %arg8[%run_scoped3A_31, %dma_wait3A_195, %dma_wait3A_196] : memref<2x125x64xf32, #tpu.memory_space<vmem>> -> memref<1x125x64xf32, #tpu.memory_space<vmem>>
      %dma_wait3A_198 = tpu.memref_squeeze %dma_wait3A_197 : memref<1x125x64xf32, #tpu.memory_space<vmem>> -> memref<125x64xf32, #tpu.memory_space<vmem>>
      %dma_wait3A_199 = arith.constant 0 : i32
      %dma_wait3A_200 = tpu.memref_slice %arg11[%add3A_30, %dma_wait3A_199] : memref<10240x64xf32, #tpu.memory_space<vmem_shared>> -> memref<125x64xf32, #tpu.memory_space<vmem_shared>>
      %dma_wait3A_201 = arith.constant 0 : i32
      %dma_wait3A_202 = tpu.memref_slice %arg11[%add3A_30, %dma_wait3A_201] : memref<10240x64xf32, #tpu.memory_space<vmem_shared>> -> memref<125x64xf32, #tpu.memory_space<vmem_shared>>
      %dma_wait3A_203 = arith.constant 0 : i32
      %dma_wait3A_204 = arith.constant 0 : i32
      %dma_wait3A_205 = tpu.memref_slice %arg8[%run_scoped3A_31, %dma_wait3A_203, %dma_wait3A_204] : memref<2x125x64xf32, #tpu.memory_space<vmem>> -> memref<1x125x64xf32, #tpu.memory_space<vmem>>
      %dma_wait3A_206 = tpu.memref_squeeze %dma_wait3A_205 : memref<1x125x64xf32, #tpu.memory_space<vmem>> -> memref<125x64xf32, #tpu.memory_space<vmem>>
      tpu.wait_dma2 semaphore(%run_scoped3A_182 : memref<!tpu.dma_semaphore, #tpu.memory_space<semaphore_mem>>) src(%dma_wait3A_206 : memref<125x64xf32, #tpu.memory_space<vmem>>) dst(%dma_wait3A_202 : memref<125x64xf32, #tpu.memory_space<vmem_shared>>)
      tpu.yield
    }) : () -> ()
    %mul3A_32 = arith.constant 640 : i32
    %mul3A_33 = arith.muli %arg1, %mul3A_32 : i32
    %add3A_34 = arith.constant 625 : i32
    %add3A_35 = arith.addi %mul3A_33, %add3A_34 : i32
    %run_scoped3A_36 = arith.constant 0 : i32
    "tpu.region"() ({
      %run_scoped3A_182 = tpu.sem_alloc : memref<!tpu.dma_semaphore, #tpu.memory_space<semaphore_mem>>
      %dma_start3A_183 = arith.constant 0 : i32
      %dma_start3A_184 = arith.constant 0 : i32
      %dma_start3A_185 = tpu.memref_slice %arg8[%run_scoped3A_36, %dma_start3A_183, %dma_start3A_184] : memref<2x125x64xf32, #tpu.memory_space<vmem>> -> memref<1x15x64xf32, #tpu.memory_space<vmem>>
      %dma_start3A_186 = tpu.memref_squeeze %dma_start3A_185 : memref<1x15x64xf32, #tpu.memory_space<vmem>> -> memref<15x64xf32, #tpu.memory_space<vmem>>
      %dma_start3A_187 = arith.constant 0 : i32
      %dma_start3A_188 = tpu.memref_slice %arg11[%add3A_35, %dma_start3A_187] : memref<10240x64xf32, #tpu.memory_space<vmem_shared>> -> memref<15x64xf32, #tpu.memory_space<vmem_shared>>
      %dma_start3A_189 = arith.constant 0 : i32
      %dma_start3A_190 = tpu.memref_slice %arg11[%add3A_35, %dma_start3A_189] : memref<10240x64xf32, #tpu.memory_space<vmem_shared>> -> memref<15x64xf32, #tpu.memory_space<vmem_shared>>
      %dma_start3A_191 = arith.constant 0 : i32
      %dma_start3A_192 = arith.constant 0 : i32
      %dma_start3A_193 = tpu.memref_slice %arg8[%run_scoped3A_36, %dma_start3A_191, %dma_start3A_192] : memref<2x125x64xf32, #tpu.memory_space<vmem>> -> memref<1x15x64xf32, #tpu.memory_space<vmem>>
      %dma_start3A_194 = tpu.memref_squeeze %dma_start3A_193 : memref<1x15x64xf32, #tpu.memory_space<vmem>> -> memref<15x64xf32, #tpu.memory_space<vmem>>
      tpu.enqueue_dma source(%dma_start3A_194 : memref<15x64xf32, #tpu.memory_space<vmem>>) target(%dma_start3A_190 : memref<15x64xf32, #tpu.memory_space<vmem_shared>>) target_semaphore(%run_scoped3A_182 : memref<!tpu.dma_semaphore, #tpu.memory_space<semaphore_mem>>)
      %dma_wait3A_195 = arith.constant 0 : i32
      %dma_wait3A_196 = arith.constant 0 : i32
      %dma_wait3A_197 = tpu.memref_slice %arg8[%run_scoped3A_36, %dma_wait3A_195, %dma_wait3A_196] : memref<2x125x64xf32, #tpu.memory_space<vmem>> -> memref<1x15x64xf32, #tpu.memory_space<vmem>>
      %dma_wait3A_198 = tpu.memref_squeeze %dma_wait3A_197 : memref<1x15x64xf32, #tpu.memory_space<vmem>> -> memref<15x64xf32, #tpu.memory_space<vmem>>
      %dma_wait3A_199 = arith.constant 0 : i32
      %dma_wait3A_200 = tpu.memref_slice %arg11[%add3A_35, %dma_wait3A_199] : memref<10240x64xf32, #tpu.memory_space<vmem_shared>> -> memref<15x64xf32, #tpu.memory_space<vmem_shared>>
      %dma_wait3A_201 = arith.constant 0 : i32
      %dma_wait3A_202 = tpu.memref_slice %arg11[%add3A_35, %dma_wait3A_201] : memref<10240x64xf32, #tpu.memory_space<vmem_shared>> -> memref<15x64xf32, #tpu.memory_space<vmem_shared>>
      %dma_wait3A_203 = arith.constant 0 : i32
      %dma_wait3A_204 = arith.constant 0 : i32
      %dma_wait3A_205 = tpu.memref_slice %arg8[%run_scoped3A_36, %dma_wait3A_203, %dma_wait3A_204] : memref<2x125x64xf32, #tpu.memory_space<vmem>> -> memref<1x15x64xf32, #tpu.memory_space<vmem>>
      %dma_wait3A_206 = tpu.memref_squeeze %dma_wait3A_205 : memref<1x15x64xf32, #tpu.memory_space<vmem>> -> memref<15x64xf32, #tpu.memory_space<vmem>>
      tpu.wait_dma2 semaphore(%run_scoped3A_182 : memref<!tpu.dma_semaphore, #tpu.memory_space<semaphore_mem>>) src(%dma_wait3A_206 : memref<15x64xf32, #tpu.memory_space<vmem>>) dst(%dma_wait3A_202 : memref<15x64xf32, #tpu.memory_space<vmem_shared>>)
      tpu.yield
    }) : () -> ()
    %barrier3A = arith.constant 0 : index
    tpu.barrier barrier_id(%barrier3A)
    "tpu.region"() ({
      %run_scoped3A_182 = tpu.sem_alloc : memref<!tpu.dma_semaphore, #tpu.memory_space<semaphore_mem>>
      %dma_start3A_183 = arith.constant 0 : i32
      %dma_start3A_184 = arith.constant 0 : i32
      %dma_start3A_185 = tpu.memref_slice %arg2[%arg1, %dma_start3A_183, %dma_start3A_184] : memref<16x160x125xi32, #tpu.memory_space<hbm>> -> memref<1x80x125xi32, #tpu.memory_space<hbm>>
      %dma_start3A_186 = tpu.memref_squeeze %dma_start3A_185 : memref<1x80x125xi32, #tpu.memory_space<hbm>> -> memref<80x125xi32, #tpu.memory_space<hbm>>
      %dma_start3A_187 = arith.constant 0 : i32
      %dma_start3A_188 = arith.constant 0 : i32
      %dma_start3A_189 = tpu.memref_slice %arg2[%arg1, %dma_start3A_187, %dma_start3A_188] : memref<16x160x125xi32, #tpu.memory_space<hbm>> -> memref<1x80x125xi32, #tpu.memory_space<hbm>>
      %dma_start3A_190 = tpu.memref_squeeze %dma_start3A_189 : memref<1x80x125xi32, #tpu.memory_space<hbm>> -> memref<80x125xi32, #tpu.memory_space<hbm>>
      tpu.enqueue_dma source(%dma_start3A_190 : memref<80x125xi32, #tpu.memory_space<hbm>>) target(%arg6 : memref<80x125xi32, #tpu.memory_space<vmem>>) target_semaphore(%run_scoped3A_182 : memref<!tpu.dma_semaphore, #tpu.memory_space<semaphore_mem>>)
      %dma_wait3A_191 = arith.constant 0 : i32
      %dma_wait3A_192 = arith.constant 0 : i32
      %dma_wait3A_193 = tpu.memref_slice %arg2[%arg1, %dma_wait3A_191, %dma_wait3A_192] : memref<16x160x125xi32, #tpu.memory_space<hbm>> -> memref<1x80x125xi32, #tpu.memory_space<hbm>>
      %dma_wait3A_194 = tpu.memref_squeeze %dma_wait3A_193 : memref<1x80x125xi32, #tpu.memory_space<hbm>> -> memref<80x125xi32, #tpu.memory_space<hbm>>
      %dma_wait3A_195 = arith.constant 0 : i32
      %dma_wait3A_196 = arith.constant 0 : i32
      %dma_wait3A_197 = tpu.memref_slice %arg2[%arg1, %dma_wait3A_195, %dma_wait3A_196] : memref<16x160x125xi32, #tpu.memory_space<hbm>> -> memref<1x80x125xi32, #tpu.memory_space<hbm>>
      %dma_wait3A_198 = tpu.memref_squeeze %dma_wait3A_197 : memref<1x80x125xi32, #tpu.memory_space<hbm>> -> memref<80x125xi32, #tpu.memory_space<hbm>>
      tpu.wait_dma2 semaphore(%run_scoped3A_182 : memref<!tpu.dma_semaphore, #tpu.memory_space<semaphore_mem>>) src(%dma_wait3A_198 : memref<80x125xi32, #tpu.memory_space<hbm>>) dst(%arg6 : memref<80x125xi32, #tpu.memory_space<vmem>>)
      tpu.yield
    }) : () -> ()
    "tpu.region"() ({
      %run_scoped3A_182 = tpu.sem_alloc : memref<!tpu.dma_semaphore, #tpu.memory_space<semaphore_mem>>
      %dma_start3A_183 = arith.constant 0 : i32
      %dma_start3A_184 = arith.constant 0 : i32
      %dma_start3A_185 = tpu.memref_slice %arg3[%arg1, %dma_start3A_183, %dma_start3A_184] : memref<16x160x125xi32, #tpu.memory_space<hbm>> -> memref<1x80x125xi32, #tpu.memory_space<hbm>>
      %dma_start3A_186 = tpu.memref_squeeze %dma_start3A_185 : memref<1x80x125xi32, #tpu.memory_space<hbm>> -> memref<80x125xi32, #tpu.memory_space<hbm>>
      %dma_start3A_187 = arith.constant 0 : i32
      %dma_start3A_188 = arith.constant 0 : i32
      %dma_start3A_189 = tpu.memref_slice %arg3[%arg1, %dma_start3A_187, %dma_start3A_188] : memref<16x160x125xi32, #tpu.memory_space<hbm>> -> memref<1x80x125xi32, #tpu.memory_space<hbm>>
      %dma_start3A_190 = tpu.memref_squeeze %dma_start3A_189 : memref<1x80x125xi32, #tpu.memory_space<hbm>> -> memref<80x125xi32, #tpu.memory_space<hbm>>
      tpu.enqueue_dma source(%dma_start3A_190 : memref<80x125xi32, #tpu.memory_space<hbm>>) target(%arg7 : memref<80x125xi32, #tpu.memory_space<vmem>>) target_semaphore(%run_scoped3A_182 : memref<!tpu.dma_semaphore, #tpu.memory_space<semaphore_mem>>)
      %dma_wait3A_191 = arith.constant 0 : i32
      %dma_wait3A_192 = arith.constant 0 : i32
      %dma_wait3A_193 = tpu.memref_slice %arg3[%arg1, %dma_wait3A_191, %dma_wait3A_192] : memref<16x160x125xi32, #tpu.memory_space<hbm>> -> memref<1x80x125xi32, #tpu.memory_space<hbm>>
      %dma_wait3A_194 = tpu.memref_squeeze %dma_wait3A_193 : memref<1x80x125xi32, #tpu.memory_space<hbm>> -> memref<80x125xi32, #tpu.memory_space<hbm>>
      %dma_wait3A_195 = arith.constant 0 : i32
      %dma_wait3A_196 = arith.constant 0 : i32
      %dma_wait3A_197 = tpu.memref_slice %arg3[%arg1, %dma_wait3A_195, %dma_wait3A_196] : memref<16x160x125xi32, #tpu.memory_space<hbm>> -> memref<1x80x125xi32, #tpu.memory_space<hbm>>
      %dma_wait3A_198 = tpu.memref_squeeze %dma_wait3A_197 : memref<1x80x125xi32, #tpu.memory_space<hbm>> -> memref<80x125xi32, #tpu.memory_space<hbm>>
      tpu.wait_dma2 semaphore(%run_scoped3A_182 : memref<!tpu.dma_semaphore, #tpu.memory_space<semaphore_mem>>) src(%dma_wait3A_198 : memref<80x125xi32, #tpu.memory_space<hbm>>) dst(%arg7 : memref<80x125xi32, #tpu.memory_space<vmem>>)
      tpu.yield
    }) : () -> ()
    %dma_start3A = arith.constant 0 : i32
    %dma_start3A_37 = arith.constant 0 : i32
    %dma_start3A_38 = arith.constant 0 : i32
    %dma_start3A_39 = arith.constant 0 : i32
    %dma_start3A_40 = arith.constant 0 : i32
    %dma_start3A_41 = tpu.memref_slice %arg8[%dma_start3A_37, %dma_start3A_39, %dma_start3A_40] : memref<2x125x64xf32, #tpu.memory_space<vmem>> -> memref<1x125x64xf32, #tpu.memory_space<vmem>>
    %dma_start3A_42 = tpu.memref_squeeze %dma_start3A_41 : memref<1x125x64xf32, #tpu.memory_space<vmem>> -> memref<125x64xf32, #tpu.memory_space<vmem>>
    %dma_start3A_43 = arith.constant 0 : i32
    %dma_start3A_44 = tpu.memref_slice %arg6[%dma_start3A, %dma_start3A_43] : memref<80x125xi32, #tpu.memory_space<vmem>> -> memref<1x125xi32, #tpu.memory_space<vmem>>
    %dma_start3A_45 = tpu.memref_squeeze %dma_start3A_44 : memref<1x125xi32, #tpu.memory_space<vmem>> -> memref<125xi32, #tpu.memory_space<vmem>>
    %dma_start3A_46 = arith.constant 0 : i32
    %dma_start3A_47 = arith.constant 0 : i32
    %dma_start3A_48 = tpu.memref_slice %arg10[%dma_start3A_46, %dma_start3A_47] : memref<10240x64xf32, #tpu.memory_space<vmem_shared>> -> memref<10240x64xf32, #tpu.memory_space<vmem_shared>>
    %dma_start3A_49 = tpu.memref_slice %arg9[%dma_start3A_38] : memref<2x!tpu.dma_semaphore, #tpu.memory_space<semaphore_mem>> -> memref<1x!tpu.dma_semaphore, #tpu.memory_space<semaphore_mem>>
    %dma_start3A_50 = tpu.memref_squeeze %dma_start3A_49 : memref<1x!tpu.dma_semaphore, #tpu.memory_space<semaphore_mem>> -> memref<!tpu.dma_semaphore, #tpu.memory_space<semaphore_mem>>
    tpu.enqueue_indirect_dma source(%dma_start3A_48 : memref<10240x64xf32, #tpu.memory_space<vmem_shared>>) target(%dma_start3A_42 : memref<125x64xf32, #tpu.memory_space<vmem>>) offsets(%dma_start3A_45 : memref<125xi32, #tpu.memory_space<vmem>>) semaphore(%dma_start3A_50 : memref<!tpu.dma_semaphore, #tpu.memory_space<semaphore_mem>>)
    %dma_start3A_51 = arith.constant 1 : i32
    %dma_start3A_52 = arith.constant 1 : i32
    %dma_start3A_53 = arith.constant 1 : i32
    %dma_start3A_54 = arith.constant 0 : i32
    %dma_start3A_55 = arith.constant 0 : i32
    %dma_start3A_56 = tpu.memref_slice %arg8[%dma_start3A_52, %dma_start3A_54, %dma_start3A_55] : memref<2x125x64xf32, #tpu.memory_space<vmem>> -> memref<1x125x64xf32, #tpu.memory_space<vmem>>
    %dma_start3A_57 = tpu.memref_squeeze %dma_start3A_56 : memref<1x125x64xf32, #tpu.memory_space<vmem>> -> memref<125x64xf32, #tpu.memory_space<vmem>>
    %dma_start3A_58 = arith.constant 0 : i32
    %dma_start3A_59 = tpu.memref_slice %arg6[%dma_start3A_51, %dma_start3A_58] : memref<80x125xi32, #tpu.memory_space<vmem>> -> memref<1x125xi32, #tpu.memory_space<vmem>>
    %dma_start3A_60 = tpu.memref_squeeze %dma_start3A_59 : memref<1x125xi32, #tpu.memory_space<vmem>> -> memref<125xi32, #tpu.memory_space<vmem>>
    %dma_start3A_61 = arith.constant 0 : i32
    %dma_start3A_62 = arith.constant 0 : i32
    %dma_start3A_63 = tpu.memref_slice %arg10[%dma_start3A_61, %dma_start3A_62] : memref<10240x64xf32, #tpu.memory_space<vmem_shared>> -> memref<10240x64xf32, #tpu.memory_space<vmem_shared>>
    %dma_start3A_64 = tpu.memref_slice %arg9[%dma_start3A_53] : memref<2x!tpu.dma_semaphore, #tpu.memory_space<semaphore_mem>> -> memref<1x!tpu.dma_semaphore, #tpu.memory_space<semaphore_mem>>
    %dma_start3A_65 = tpu.memref_squeeze %dma_start3A_64 : memref<1x!tpu.dma_semaphore, #tpu.memory_space<semaphore_mem>> -> memref<!tpu.dma_semaphore, #tpu.memory_space<semaphore_mem>>
    tpu.enqueue_indirect_dma source(%dma_start3A_63 : memref<10240x64xf32, #tpu.memory_space<vmem_shared>>) target(%dma_start3A_57 : memref<125x64xf32, #tpu.memory_space<vmem>>) offsets(%dma_start3A_60 : memref<125xi32, #tpu.memory_space<vmem>>) semaphore(%dma_start3A_65 : memref<!tpu.dma_semaphore, #tpu.memory_space<semaphore_mem>>)
    %scan3A_66 = arith.constant 0 : i32
    %scan3A_67 = arith.constant 0 : i32
    %scan3A_68 = arith.constant 39 : i32
    %scan3A_69 = arith.addi %scan3A_67, %scan3A_68 : i32
    %scan3A_70 = arith.constant 1 : i32
    %scan3A_71 = scf.for %scan3A_182 = %scan3A_67 to %scan3A_69 step %scan3A_70 iter_args(%scan3A_183 = %scan3A_66) -> (i32)  : i32 {
      %mul3A_184 = arith.constant 2 : i32
      %mul3A_185 = arith.muli %scan3A_182, %mul3A_184 : i32
      %add3A_186 = arith.constant 0 : i32
      %add3A_187 = arith.addi %mul3A_185, %add3A_186 : i32
      %dma_wait3A_188 = arith.constant 0 : i32
      %dma_wait3A_189 = arith.constant 0 : i32
      %dma_wait3A_190 = arith.constant 0 : i32
      %dma_wait3A_191 = arith.constant 0 : i32
      %dma_wait3A_192 = tpu.memref_slice %arg8[%dma_wait3A_188, %dma_wait3A_190, %dma_wait3A_191] : memref<2x125x64xf32, #tpu.memory_space<vmem>> -> memref<1x125x64xf32, #tpu.memory_space<vmem>>
      %dma_wait3A_193 = tpu.memref_squeeze %dma_wait3A_192 : memref<1x125x64xf32, #tpu.memory_space<vmem>> -> memref<125x64xf32, #tpu.memory_space<vmem>>
      %dma_wait3A_194 = arith.constant 0 : i32
      %dma_wait3A_195 = tpu.memref_slice %arg6[%add3A_187, %dma_wait3A_194] : memref<80x125xi32, #tpu.memory_space<vmem>> -> memref<1x125xi32, #tpu.memory_space<vmem>>
      %dma_wait3A_196 = tpu.memref_squeeze %dma_wait3A_195 : memref<1x125xi32, #tpu.memory_space<vmem>> -> memref<125xi32, #tpu.memory_space<vmem>>
      %dma_wait3A_197 = arith.constant 0 : i32
      %dma_wait3A_198 = arith.constant 0 : i32
      %dma_wait3A_199 = tpu.memref_slice %arg10[%dma_wait3A_197, %dma_wait3A_198] : memref<10240x64xf32, #tpu.memory_space<vmem_shared>> -> memref<10240x64xf32, #tpu.memory_space<vmem_shared>>
      %dma_wait3A_200 = tpu.memref_slice %arg9[%dma_wait3A_189] : memref<2x!tpu.dma_semaphore, #tpu.memory_space<semaphore_mem>> -> memref<1x!tpu.dma_semaphore, #tpu.memory_space<semaphore_mem>>
      %dma_wait3A_201 = tpu.memref_squeeze %dma_wait3A_200 : memref<1x!tpu.dma_semaphore, #tpu.memory_space<semaphore_mem>> -> memref<!tpu.dma_semaphore, #tpu.memory_space<semaphore_mem>>
      tpu.wait_indirect_dma semaphore(%dma_wait3A_201 : memref<!tpu.dma_semaphore, #tpu.memory_space<semaphore_mem>>) src(%dma_wait3A_199 : memref<10240x64xf32, #tpu.memory_space<vmem_shared>>) dst(%dma_wait3A_193 : memref<125x64xf32, #tpu.memory_space<vmem>>)
      %run_scoped3A_202 = arith.constant 0 : i32
      "tpu.region"() ({
        %run_scoped3A_255 = tpu.sem_alloc : memref<!tpu.dma_semaphore, #tpu.memory_space<semaphore_mem>>
        %dma_start3A_256 = arith.constant 0 : i32
        %dma_start3A_257 = arith.constant 0 : i32
        %dma_start3A_258 = tpu.memref_slice %arg8[%run_scoped3A_202, %dma_start3A_256, %dma_start3A_257] : memref<2x125x64xf32, #tpu.memory_space<vmem>> -> memref<1x125x64xf32, #tpu.memory_space<vmem>>
        %dma_start3A_259 = tpu.memref_squeeze %dma_start3A_258 : memref<1x125x64xf32, #tpu.memory_space<vmem>> -> memref<125x64xf32, #tpu.memory_space<vmem>>
        %dma_start3A_260 = arith.constant 0 : i32
        %dma_start3A_261 = tpu.memref_slice %arg7[%add3A_187, %dma_start3A_260] : memref<80x125xi32, #tpu.memory_space<vmem>> -> memref<1x125xi32, #tpu.memory_space<vmem>>
        %dma_start3A_262 = tpu.memref_squeeze %dma_start3A_261 : memref<1x125xi32, #tpu.memory_space<vmem>> -> memref<125xi32, #tpu.memory_space<vmem>>
        %dma_start3A_263 = arith.constant 0 : i32
        %dma_start3A_264 = arith.constant 0 : i32
        %dma_start3A_265 = tpu.memref_slice %arg11[%dma_start3A_263, %dma_start3A_264] : memref<10240x64xf32, #tpu.memory_space<vmem_shared>> -> memref<10240x64xf32, #tpu.memory_space<vmem_shared>>
        tpu.enqueue_indirect_dma source(%dma_start3A_259 : memref<125x64xf32, #tpu.memory_space<vmem>>) target(%dma_start3A_265 : memref<10240x64xf32, #tpu.memory_space<vmem_shared>>) offsets(%dma_start3A_262 : memref<125xi32, #tpu.memory_space<vmem>>) semaphore(%run_scoped3A_255 : memref<!tpu.dma_semaphore, #tpu.memory_space<semaphore_mem>>) {add = true}
        %dma_wait3A_266 = arith.constant 0 : i32
        %dma_wait3A_267 = arith.constant 0 : i32
        %dma_wait3A_268 = tpu.memref_slice %arg8[%run_scoped3A_202, %dma_wait3A_266, %dma_wait3A_267] : memref<2x125x64xf32, #tpu.memory_space<vmem>> -> memref<1x125x64xf32, #tpu.memory_space<vmem>>
        %dma_wait3A_269 = tpu.memref_squeeze %dma_wait3A_268 : memref<1x125x64xf32, #tpu.memory_space<vmem>> -> memref<125x64xf32, #tpu.memory_space<vmem>>
        %dma_wait3A_270 = arith.constant 0 : i32
        %dma_wait3A_271 = tpu.memref_slice %arg7[%add3A_187, %dma_wait3A_270] : memref<80x125xi32, #tpu.memory_space<vmem>> -> memref<1x125xi32, #tpu.memory_space<vmem>>
        %dma_wait3A_272 = tpu.memref_squeeze %dma_wait3A_271 : memref<1x125xi32, #tpu.memory_space<vmem>> -> memref<125xi32, #tpu.memory_space<vmem>>
        %dma_wait3A_273 = arith.constant 0 : i32
        %dma_wait3A_274 = arith.constant 0 : i32
        %dma_wait3A_275 = tpu.memref_slice %arg11[%dma_wait3A_273, %dma_wait3A_274] : memref<10240x64xf32, #tpu.memory_space<vmem_shared>> -> memref<10240x64xf32, #tpu.memory_space<vmem_shared>>
        tpu.wait_indirect_dma semaphore(%run_scoped3A_255 : memref<!tpu.dma_semaphore, #tpu.memory_space<semaphore_mem>>) src(%dma_wait3A_269 : memref<125x64xf32, #tpu.memory_space<vmem>>) dst(%dma_wait3A_275 : memref<10240x64xf32, #tpu.memory_space<vmem_shared>>)
        tpu.yield
      }) : () -> ()
      %add3A_203 = arith.constant 2 : i32
      %add3A_204 = arith.addi %add3A_187, %add3A_203 : i32
      %dma_start3A_205 = arith.constant 0 : i32
      %dma_start3A_206 = arith.constant 0 : i32
      %dma_start3A_207 = arith.constant 0 : i32
      %dma_start3A_208 = arith.constant 0 : i32
      %dma_start3A_209 = tpu.memref_slice %arg8[%dma_start3A_205, %dma_start3A_207, %dma_start3A_208] : memref<2x125x64xf32, #tpu.memory_space<vmem>> -> memref<1x125x64xf32, #tpu.memory_space<vmem>>
      %dma_start3A_210 = tpu.memref_squeeze %dma_start3A_209 : memref<1x125x64xf32, #tpu.memory_space<vmem>> -> memref<125x64xf32, #tpu.memory_space<vmem>>
      %dma_start3A_211 = arith.constant 0 : i32
      %dma_start3A_212 = tpu.memref_slice %arg6[%add3A_204, %dma_start3A_211] : memref<80x125xi32, #tpu.memory_space<vmem>> -> memref<1x125xi32, #tpu.memory_space<vmem>>
      %dma_start3A_213 = tpu.memref_squeeze %dma_start3A_212 : memref<1x125xi32, #tpu.memory_space<vmem>> -> memref<125xi32, #tpu.memory_space<vmem>>
      %dma_start3A_214 = arith.constant 0 : i32
      %dma_start3A_215 = arith.constant 0 : i32
      %dma_start3A_216 = tpu.memref_slice %arg10[%dma_start3A_214, %dma_start3A_215] : memref<10240x64xf32, #tpu.memory_space<vmem_shared>> -> memref<10240x64xf32, #tpu.memory_space<vmem_shared>>
      %dma_start3A_217 = tpu.memref_slice %arg9[%dma_start3A_206] : memref<2x!tpu.dma_semaphore, #tpu.memory_space<semaphore_mem>> -> memref<1x!tpu.dma_semaphore, #tpu.memory_space<semaphore_mem>>
      %dma_start3A_218 = tpu.memref_squeeze %dma_start3A_217 : memref<1x!tpu.dma_semaphore, #tpu.memory_space<semaphore_mem>> -> memref<!tpu.dma_semaphore, #tpu.memory_space<semaphore_mem>>
      tpu.enqueue_indirect_dma source(%dma_start3A_216 : memref<10240x64xf32, #tpu.memory_space<vmem_shared>>) target(%dma_start3A_210 : memref<125x64xf32, #tpu.memory_space<vmem>>) offsets(%dma_start3A_213 : memref<125xi32, #tpu.memory_space<vmem>>) semaphore(%dma_start3A_218 : memref<!tpu.dma_semaphore, #tpu.memory_space<semaphore_mem>>)
      %mul3A_219 = arith.constant 2 : i32
      %mul3A_220 = arith.muli %scan3A_182, %mul3A_219 : i32
      %add3A_221 = arith.constant 1 : i32
      %add3A_222 = arith.addi %mul3A_220, %add3A_221 : i32
      %dma_wait3A_223 = arith.constant 1 : i32
      %dma_wait3A_224 = arith.constant 1 : i32
      %dma_wait3A_225 = arith.constant 0 : i32
      %dma_wait3A_226 = arith.constant 0 : i32
      %dma_wait3A_227 = tpu.memref_slice %arg8[%dma_wait3A_223, %dma_wait3A_225, %dma_wait3A_226] : memref<2x125x64xf32, #tpu.memory_space<vmem>> -> memref<1x125x64xf32, #tpu.memory_space<vmem>>
      %dma_wait3A_228 = tpu.memref_squeeze %dma_wait3A_227 : memref<1x125x64xf32, #tpu.memory_space<vmem>> -> memref<125x64xf32, #tpu.memory_space<vmem>>
      %dma_wait3A_229 = arith.constant 0 : i32
      %dma_wait3A_230 = tpu.memref_slice %arg6[%add3A_222, %dma_wait3A_229] : memref<80x125xi32, #tpu.memory_space<vmem>> -> memref<1x125xi32, #tpu.memory_space<vmem>>
      %dma_wait3A_231 = tpu.memref_squeeze %dma_wait3A_230 : memref<1x125xi32, #tpu.memory_space<vmem>> -> memref<125xi32, #tpu.memory_space<vmem>>
      %dma_wait3A_232 = arith.constant 0 : i32
      %dma_wait3A_233 = arith.constant 0 : i32
      %dma_wait3A_234 = tpu.memref_slice %arg10[%dma_wait3A_232, %dma_wait3A_233] : memref<10240x64xf32, #tpu.memory_space<vmem_shared>> -> memref<10240x64xf32, #tpu.memory_space<vmem_shared>>
      %dma_wait3A_235 = tpu.memref_slice %arg9[%dma_wait3A_224] : memref<2x!tpu.dma_semaphore, #tpu.memory_space<semaphore_mem>> -> memref<1x!tpu.dma_semaphore, #tpu.memory_space<semaphore_mem>>
      %dma_wait3A_236 = tpu.memref_squeeze %dma_wait3A_235 : memref<1x!tpu.dma_semaphore, #tpu.memory_space<semaphore_mem>> -> memref<!tpu.dma_semaphore, #tpu.memory_space<semaphore_mem>>
      tpu.wait_indirect_dma semaphore(%dma_wait3A_236 : memref<!tpu.dma_semaphore, #tpu.memory_space<semaphore_mem>>) src(%dma_wait3A_234 : memref<10240x64xf32, #tpu.memory_space<vmem_shared>>) dst(%dma_wait3A_228 : memref<125x64xf32, #tpu.memory_space<vmem>>)
      %run_scoped3A_237 = arith.constant 1 : i32
      "tpu.region"() ({
        %run_scoped3A_255 = tpu.sem_alloc : memref<!tpu.dma_semaphore, #tpu.memory_space<semaphore_mem>>
        %dma_start3A_256 = arith.constant 0 : i32
        %dma_start3A_257 = arith.constant 0 : i32
        %dma_start3A_258 = tpu.memref_slice %arg8[%run_scoped3A_237, %dma_start3A_256, %dma_start3A_257] : memref<2x125x64xf32, #tpu.memory_space<vmem>> -> memref<1x125x64xf32, #tpu.memory_space<vmem>>
        %dma_start3A_259 = tpu.memref_squeeze %dma_start3A_258 : memref<1x125x64xf32, #tpu.memory_space<vmem>> -> memref<125x64xf32, #tpu.memory_space<vmem>>
        %dma_start3A_260 = arith.constant 0 : i32
        %dma_start3A_261 = tpu.memref_slice %arg7[%add3A_222, %dma_start3A_260] : memref<80x125xi32, #tpu.memory_space<vmem>> -> memref<1x125xi32, #tpu.memory_space<vmem>>
        %dma_start3A_262 = tpu.memref_squeeze %dma_start3A_261 : memref<1x125xi32, #tpu.memory_space<vmem>> -> memref<125xi32, #tpu.memory_space<vmem>>
        %dma_start3A_263 = arith.constant 0 : i32
        %dma_start3A_264 = arith.constant 0 : i32
        %dma_start3A_265 = tpu.memref_slice %arg11[%dma_start3A_263, %dma_start3A_264] : memref<10240x64xf32, #tpu.memory_space<vmem_shared>> -> memref<10240x64xf32, #tpu.memory_space<vmem_shared>>
        tpu.enqueue_indirect_dma source(%dma_start3A_259 : memref<125x64xf32, #tpu.memory_space<vmem>>) target(%dma_start3A_265 : memref<10240x64xf32, #tpu.memory_space<vmem_shared>>) offsets(%dma_start3A_262 : memref<125xi32, #tpu.memory_space<vmem>>) semaphore(%run_scoped3A_255 : memref<!tpu.dma_semaphore, #tpu.memory_space<semaphore_mem>>) {add = true}
        %dma_wait3A_266 = arith.constant 0 : i32
        %dma_wait3A_267 = arith.constant 0 : i32
        %dma_wait3A_268 = tpu.memref_slice %arg8[%run_scoped3A_237, %dma_wait3A_266, %dma_wait3A_267] : memref<2x125x64xf32, #tpu.memory_space<vmem>> -> memref<1x125x64xf32, #tpu.memory_space<vmem>>
        %dma_wait3A_269 = tpu.memref_squeeze %dma_wait3A_268 : memref<1x125x64xf32, #tpu.memory_space<vmem>> -> memref<125x64xf32, #tpu.memory_space<vmem>>
        %dma_wait3A_270 = arith.constant 0 : i32
        %dma_wait3A_271 = tpu.memref_slice %arg7[%add3A_222, %dma_wait3A_270] : memref<80x125xi32, #tpu.memory_space<vmem>> -> memref<1x125xi32, #tpu.memory_space<vmem>>
        %dma_wait3A_272 = tpu.memref_squeeze %dma_wait3A_271 : memref<1x125xi32, #tpu.memory_space<vmem>> -> memref<125xi32, #tpu.memory_space<vmem>>
        %dma_wait3A_273 = arith.constant 0 : i32
        %dma_wait3A_274 = arith.constant 0 : i32
        %dma_wait3A_275 = tpu.memref_slice %arg11[%dma_wait3A_273, %dma_wait3A_274] : memref<10240x64xf32, #tpu.memory_space<vmem_shared>> -> memref<10240x64xf32, #tpu.memory_space<vmem_shared>>
        tpu.wait_indirect_dma semaphore(%run_scoped3A_255 : memref<!tpu.dma_semaphore, #tpu.memory_space<semaphore_mem>>) src(%dma_wait3A_269 : memref<125x64xf32, #tpu.memory_space<vmem>>) dst(%dma_wait3A_275 : memref<10240x64xf32, #tpu.memory_space<vmem_shared>>)
        tpu.yield
      }) : () -> ()
      %add3A_238 = arith.constant 2 : i32
      %add3A_239 = arith.addi %add3A_222, %add3A_238 : i32
      %dma_start3A_240 = arith.constant 1 : i32
      %dma_start3A_241 = arith.constant 1 : i32
      %dma_start3A_242 = arith.constant 0 : i32
      %dma_start3A_243 = arith.constant 0 : i32
      %dma_start3A_244 = tpu.memref_slice %arg8[%dma_start3A_240, %dma_start3A_242, %dma_start3A_243] : memref<2x125x64xf32, #tpu.memory_space<vmem>> -> memref<1x125x64xf32, #tpu.memory_space<vmem>>
      %dma_start3A_245 = tpu.memref_squeeze %dma_start3A_244 : memref<1x125x64xf32, #tpu.memory_space<vmem>> -> memref<125x64xf32, #tpu.memory_space<vmem>>
      %dma_start3A_246 = arith.constant 0 : i32
      %dma_start3A_247 = tpu.memref_slice %arg6[%add3A_239, %dma_start3A_246] : memref<80x125xi32, #tpu.memory_space<vmem>> -> memref<1x125xi32, #tpu.memory_space<vmem>>
      %dma_start3A_248 = tpu.memref_squeeze %dma_start3A_247 : memref<1x125xi32, #tpu.memory_space<vmem>> -> memref<125xi32, #tpu.memory_space<vmem>>
      %dma_start3A_249 = arith.constant 0 : i32
      %dma_start3A_250 = arith.constant 0 : i32
      %dma_start3A_251 = tpu.memref_slice %arg10[%dma_start3A_249, %dma_start3A_250] : memref<10240x64xf32, #tpu.memory_space<vmem_shared>> -> memref<10240x64xf32, #tpu.memory_space<vmem_shared>>
      %dma_start3A_252 = tpu.memref_slice %arg9[%dma_start3A_241] : memref<2x!tpu.dma_semaphore, #tpu.memory_space<semaphore_mem>> -> memref<1x!tpu.dma_semaphore, #tpu.memory_space<semaphore_mem>>
      %dma_start3A_253 = tpu.memref_squeeze %dma_start3A_252 : memref<1x!tpu.dma_semaphore, #tpu.memory_space<semaphore_mem>> -> memref<!tpu.dma_semaphore, #tpu.memory_space<semaphore_mem>>
      tpu.enqueue_indirect_dma source(%dma_start3A_251 : memref<10240x64xf32, #tpu.memory_space<vmem_shared>>) target(%dma_start3A_245 : memref<125x64xf32, #tpu.memory_space<vmem>>) offsets(%dma_start3A_248 : memref<125xi32, #tpu.memory_space<vmem>>) semaphore(%dma_start3A_253 : memref<!tpu.dma_semaphore, #tpu.memory_space<semaphore_mem>>)
      %scan3A_254 = arith.constant 0 : i32
      scf.yield %scan3A_254 : i32
    }
    %scan3A_72 = arith.constant 39 : i32
    %dma_wait3A = arith.constant 78 : i32
    %dma_wait3A_73 = arith.constant 0 : i32
    %dma_wait3A_74 = arith.constant 0 : i32
    %dma_wait3A_75 = arith.constant 0 : i32
    %dma_wait3A_76 = arith.constant 0 : i32
    %dma_wait3A_77 = tpu.memref_slice %arg8[%dma_wait3A_73, %dma_wait3A_75, %dma_wait3A_76] : memref<2x125x64xf32, #tpu.memory_space<vmem>> -> memref<1x125x64xf32, #tpu.memory_space<vmem>>
    %dma_wait3A_78 = tpu.memref_squeeze %dma_wait3A_77 : memref<1x125x64xf32, #tpu.memory_space<vmem>> -> memref<125x64xf32, #tpu.memory_space<vmem>>
    %dma_wait3A_79 = arith.constant 0 : i32
    %dma_wait3A_80 = tpu.memref_slice %arg6[%dma_wait3A, %dma_wait3A_79] : memref<80x125xi32, #tpu.memory_space<vmem>> -> memref<1x125xi32, #tpu.memory_space<vmem>>
    %dma_wait3A_81 = tpu.memref_squeeze %dma_wait3A_80 : memref<1x125xi32, #tpu.memory_space<vmem>> -> memref<125xi32, #tpu.memory_space<vmem>>
    %dma_wait3A_82 = arith.constant 0 : i32
    %dma_wait3A_83 = arith.constant 0 : i32
    %dma_wait3A_84 = tpu.memref_slice %arg10[%dma_wait3A_82, %dma_wait3A_83] : memref<10240x64xf32, #tpu.memory_space<vmem_shared>> -> memref<10240x64xf32, #tpu.memory_space<vmem_shared>>
    %dma_wait3A_85 = tpu.memref_slice %arg9[%dma_wait3A_74] : memref<2x!tpu.dma_semaphore, #tpu.memory_space<semaphore_mem>> -> memref<1x!tpu.dma_semaphore, #tpu.memory_space<semaphore_mem>>
    %dma_wait3A_86 = tpu.memref_squeeze %dma_wait3A_85 : memref<1x!tpu.dma_semaphore, #tpu.memory_space<semaphore_mem>> -> memref<!tpu.dma_semaphore, #tpu.memory_space<semaphore_mem>>
    tpu.wait_indirect_dma semaphore(%dma_wait3A_86 : memref<!tpu.dma_semaphore, #tpu.memory_space<semaphore_mem>>) src(%dma_wait3A_84 : memref<10240x64xf32, #tpu.memory_space<vmem_shared>>) dst(%dma_wait3A_78 : memref<125x64xf32, #tpu.memory_space<vmem>>)
    %run_scoped3A_87 = arith.constant 0 : i32
    %run_scoped3A_88 = arith.constant 78 : i32
    "tpu.region"() ({
      %run_scoped3A_182 = tpu.sem_alloc : memref<!tpu.dma_semaphore, #tpu.memory_space<semaphore_mem>>
      %dma_start3A_183 = arith.constant 0 : i32
      %dma_start3A_184 = arith.constant 0 : i32
      %dma_start3A_185 = tpu.memref_slice %arg8[%run_scoped3A_87, %dma_start3A_183, %dma_start3A_184] : memref<2x125x64xf32, #tpu.memory_space<vmem>> -> memref<1x125x64xf32, #tpu.memory_space<vmem>>
      %dma_start3A_186 = tpu.memref_squeeze %dma_start3A_185 : memref<1x125x64xf32, #tpu.memory_space<vmem>> -> memref<125x64xf32, #tpu.memory_space<vmem>>
      %dma_start3A_187 = arith.constant 0 : i32
      %dma_start3A_188 = tpu.memref_slice %arg7[%run_scoped3A_88, %dma_start3A_187] : memref<80x125xi32, #tpu.memory_space<vmem>> -> memref<1x125xi32, #tpu.memory_space<vmem>>
      %dma_start3A_189 = tpu.memref_squeeze %dma_start3A_188 : memref<1x125xi32, #tpu.memory_space<vmem>> -> memref<125xi32, #tpu.memory_space<vmem>>
      %dma_start3A_190 = arith.constant 0 : i32
      %dma_start3A_191 = arith.constant 0 : i32
      %dma_start3A_192 = tpu.memref_slice %arg11[%dma_start3A_190, %dma_start3A_191] : memref<10240x64xf32, #tpu.memory_space<vmem_shared>> -> memref<10240x64xf32, #tpu.memory_space<vmem_shared>>
      tpu.enqueue_indirect_dma source(%dma_start3A_186 : memref<125x64xf32, #tpu.memory_space<vmem>>) target(%dma_start3A_192 : memref<10240x64xf32, #tpu.memory_space<vmem_shared>>) offsets(%dma_start3A_189 : memref<125xi32, #tpu.memory_space<vmem>>) semaphore(%run_scoped3A_182 : memref<!tpu.dma_semaphore, #tpu.memory_space<semaphore_mem>>) {add = true}
      %dma_wait3A_193 = arith.constant 0 : i32
      %dma_wait3A_194 = arith.constant 0 : i32
      %dma_wait3A_195 = tpu.memref_slice %arg8[%run_scoped3A_87, %dma_wait3A_193, %dma_wait3A_194] : memref<2x125x64xf32, #tpu.memory_space<vmem>> -> memref<1x125x64xf32, #tpu.memory_space<vmem>>
      %dma_wait3A_196 = tpu.memref_squeeze %dma_wait3A_195 : memref<1x125x64xf32, #tpu.memory_space<vmem>> -> memref<125x64xf32, #tpu.memory_space<vmem>>
      %dma_wait3A_197 = arith.constant 0 : i32
      %dma_wait3A_198 = tpu.memref_slice %arg7[%run_scoped3A_88, %dma_wait3A_197] : memref<80x125xi32, #tpu.memory_space<vmem>> -> memref<1x125xi32, #tpu.memory_space<vmem>>
      %dma_wait3A_199 = tpu.memref_squeeze %dma_wait3A_198 : memref<1x125xi32, #tpu.memory_space<vmem>> -> memref<125xi32, #tpu.memory_space<vmem>>
      %dma_wait3A_200 = arith.constant 0 : i32
      %dma_wait3A_201 = arith.constant 0 : i32
      %dma_wait3A_202 = tpu.memref_slice %arg11[%dma_wait3A_200, %dma_wait3A_201] : memref<10240x64xf32, #tpu.memory_space<vmem_shared>> -> memref<10240x64xf32, #tpu.memory_space<vmem_shared>>
      tpu.wait_indirect_dma semaphore(%run_scoped3A_182 : memref<!tpu.dma_semaphore, #tpu.memory_space<semaphore_mem>>) src(%dma_wait3A_196 : memref<125x64xf32, #tpu.memory_space<vmem>>) dst(%dma_wait3A_202 : memref<10240x64xf32, #tpu.memory_space<vmem_shared>>)
      tpu.yield
    }) : () -> ()
    %dma_wait3A_89 = arith.constant 79 : i32
    %dma_wait3A_90 = arith.constant 1 : i32
    %dma_wait3A_91 = arith.constant 1 : i32
    %dma_wait3A_92 = arith.constant 0 : i32
    %dma_wait3A_93 = arith.constant 0 : i32
    %dma_wait3A_94 = tpu.memref_slice %arg8[%dma_wait3A_90, %dma_wait3A_92, %dma_wait3A_93] : memref<2x125x64xf32, #tpu.memory_space<vmem>> -> memref<1x125x64xf32, #tpu.memory_space<vmem>>
    %dma_wait3A_95 = tpu.memref_squeeze %dma_wait3A_94 : memref<1x125x64xf32, #tpu.memory_space<vmem>> -> memref<125x64xf32, #tpu.memory_space<vmem>>
    %dma_wait3A_96 = arith.constant 0 : i32
    %dma_wait3A_97 = tpu.memref_slice %arg6[%dma_wait3A_89, %dma_wait3A_96] : memref<80x125xi32, #tpu.memory_space<vmem>> -> memref<1x125xi32, #tpu.memory_space<vmem>>
    %dma_wait3A_98 = tpu.memref_squeeze %dma_wait3A_97 : memref<1x125xi32, #tpu.memory_space<vmem>> -> memref<125xi32, #tpu.memory_space<vmem>>
    %dma_wait3A_99 = arith.constant 0 : i32
    %dma_wait3A_100 = arith.constant 0 : i32
    %dma_wait3A_101 = tpu.memref_slice %arg10[%dma_wait3A_99, %dma_wait3A_100] : memref<10240x64xf32, #tpu.memory_space<vmem_shared>> -> memref<10240x64xf32, #tpu.memory_space<vmem_shared>>
    %dma_wait3A_102 = tpu.memref_slice %arg9[%dma_wait3A_91] : memref<2x!tpu.dma_semaphore, #tpu.memory_space<semaphore_mem>> -> memref<1x!tpu.dma_semaphore, #tpu.memory_space<semaphore_mem>>
    %dma_wait3A_103 = tpu.memref_squeeze %dma_wait3A_102 : memref<1x!tpu.dma_semaphore, #tpu.memory_space<semaphore_mem>> -> memref<!tpu.dma_semaphore, #tpu.memory_space<semaphore_mem>>
    tpu.wait_indirect_dma semaphore(%dma_wait3A_103 : memref<!tpu.dma_semaphore, #tpu.memory_space<semaphore_mem>>) src(%dma_wait3A_101 : memref<10240x64xf32, #tpu.memory_space<vmem_shared>>) dst(%dma_wait3A_95 : memref<125x64xf32, #tpu.memory_space<vmem>>)
    %run_scoped3A_104 = arith.constant 1 : i32
    %run_scoped3A_105 = arith.constant 79 : i32
    "tpu.region"() ({
      %run_scoped3A_182 = tpu.sem_alloc : memref<!tpu.dma_semaphore, #tpu.memory_space<semaphore_mem>>
      %dma_start3A_183 = arith.constant 0 : i32
      %dma_start3A_184 = arith.constant 0 : i32
      %dma_start3A_185 = tpu.memref_slice %arg8[%run_scoped3A_104, %dma_start3A_183, %dma_start3A_184] : memref<2x125x64xf32, #tpu.memory_space<vmem>> -> memref<1x125x64xf32, #tpu.memory_space<vmem>>
      %dma_start3A_186 = tpu.memref_squeeze %dma_start3A_185 : memref<1x125x64xf32, #tpu.memory_space<vmem>> -> memref<125x64xf32, #tpu.memory_space<vmem>>
      %dma_start3A_187 = arith.constant 0 : i32
      %dma_start3A_188 = tpu.memref_slice %arg7[%run_scoped3A_105, %dma_start3A_187] : memref<80x125xi32, #tpu.memory_space<vmem>> -> memref<1x125xi32, #tpu.memory_space<vmem>>
      %dma_start3A_189 = tpu.memref_squeeze %dma_start3A_188 : memref<1x125xi32, #tpu.memory_space<vmem>> -> memref<125xi32, #tpu.memory_space<vmem>>
      %dma_start3A_190 = arith.constant 0 : i32
      %dma_start3A_191 = arith.constant 0 : i32
      %dma_start3A_192 = tpu.memref_slice %arg11[%dma_start3A_190, %dma_start3A_191] : memref<10240x64xf32, #tpu.memory_space<vmem_shared>> -> memref<10240x64xf32, #tpu.memory_space<vmem_shared>>
      tpu.enqueue_indirect_dma source(%dma_start3A_186 : memref<125x64xf32, #tpu.memory_space<vmem>>) target(%dma_start3A_192 : memref<10240x64xf32, #tpu.memory_space<vmem_shared>>) offsets(%dma_start3A_189 : memref<125xi32, #tpu.memory_space<vmem>>) semaphore(%run_scoped3A_182 : memref<!tpu.dma_semaphore, #tpu.memory_space<semaphore_mem>>) {add = true}
      %dma_wait3A_193 = arith.constant 0 : i32
      %dma_wait3A_194 = arith.constant 0 : i32
      %dma_wait3A_195 = tpu.memref_slice %arg8[%run_scoped3A_104, %dma_wait3A_193, %dma_wait3A_194] : memref<2x125x64xf32, #tpu.memory_space<vmem>> -> memref<1x125x64xf32, #tpu.memory_space<vmem>>
      %dma_wait3A_196 = tpu.memref_squeeze %dma_wait3A_195 : memref<1x125x64xf32, #tpu.memory_space<vmem>> -> memref<125x64xf32, #tpu.memory_space<vmem>>
      %dma_wait3A_197 = arith.constant 0 : i32
      %dma_wait3A_198 = tpu.memref_slice %arg7[%run_scoped3A_105, %dma_wait3A_197] : memref<80x125xi32, #tpu.memory_space<vmem>> -> memref<1x125xi32, #tpu.memory_space<vmem>>
      %dma_wait3A_199 = tpu.memref_squeeze %dma_wait3A_198 : memref<1x125xi32, #tpu.memory_space<vmem>> -> memref<125xi32, #tpu.memory_space<vmem>>
      %dma_wait3A_200 = arith.constant 0 : i32
      %dma_wait3A_201 = arith.constant 0 : i32
      %dma_wait3A_202 = tpu.memref_slice %arg11[%dma_wait3A_200, %dma_wait3A_201] : memref<10240x64xf32, #tpu.memory_space<vmem_shared>> -> memref<10240x64xf32, #tpu.memory_space<vmem_shared>>
      tpu.wait_indirect_dma semaphore(%run_scoped3A_182 : memref<!tpu.dma_semaphore, #tpu.memory_space<semaphore_mem>>) src(%dma_wait3A_196 : memref<125x64xf32, #tpu.memory_space<vmem>>) dst(%dma_wait3A_202 : memref<10240x64xf32, #tpu.memory_space<vmem_shared>>)
      tpu.yield
    }) : () -> ()
    "tpu.region"() ({
      %run_scoped3A_182 = tpu.sem_alloc : memref<!tpu.dma_semaphore, #tpu.memory_space<semaphore_mem>>
      %dma_start3A_183 = arith.constant 80 : i32
      %dma_start3A_184 = arith.constant 0 : i32
      %dma_start3A_185 = tpu.memref_slice %arg2[%arg1, %dma_start3A_183, %dma_start3A_184] : memref<16x160x125xi32, #tpu.memory_space<hbm>> -> memref<1x80x125xi32, #tpu.memory_space<hbm>>
      %dma_start3A_186 = tpu.memref_squeeze %dma_start3A_185 : memref<1x80x125xi32, #tpu.memory_space<hbm>> -> memref<80x125xi32, #tpu.memory_space<hbm>>
      %dma_start3A_187 = arith.constant 80 : i32
      %dma_start3A_188 = arith.constant 0 : i32
      %dma_start3A_189 = tpu.memref_slice %arg2[%arg1, %dma_start3A_187, %dma_start3A_188] : memref<16x160x125xi32, #tpu.memory_space<hbm>> -> memref<1x80x125xi32, #tpu.memory_space<hbm>>
      %dma_start3A_190 = tpu.memref_squeeze %dma_start3A_189 : memref<1x80x125xi32, #tpu.memory_space<hbm>> -> memref<80x125xi32, #tpu.memory_space<hbm>>
      tpu.enqueue_dma source(%dma_start3A_190 : memref<80x125xi32, #tpu.memory_space<hbm>>) target(%arg6 : memref<80x125xi32, #tpu.memory_space<vmem>>) target_semaphore(%run_scoped3A_182 : memref<!tpu.dma_semaphore, #tpu.memory_space<semaphore_mem>>)
      %dma_wait3A_191 = arith.constant 80 : i32
      %dma_wait3A_192 = arith.constant 0 : i32
      %dma_wait3A_193 = tpu.memref_slice %arg2[%arg1, %dma_wait3A_191, %dma_wait3A_192] : memref<16x160x125xi32, #tpu.memory_space<hbm>> -> memref<1x80x125xi32, #tpu.memory_space<hbm>>
      %dma_wait3A_194 = tpu.memref_squeeze %dma_wait3A_193 : memref<1x80x125xi32, #tpu.memory_space<hbm>> -> memref<80x125xi32, #tpu.memory_space<hbm>>
      %dma_wait3A_195 = arith.constant 80 : i32
      %dma_wait3A_196 = arith.constant 0 : i32
      %dma_wait3A_197 = tpu.memref_slice %arg2[%arg1, %dma_wait3A_195, %dma_wait3A_196] : memref<16x160x125xi32, #tpu.memory_space<hbm>> -> memref<1x80x125xi32, #tpu.memory_space<hbm>>
      %dma_wait3A_198 = tpu.memref_squeeze %dma_wait3A_197 : memref<1x80x125xi32, #tpu.memory_space<hbm>> -> memref<80x125xi32, #tpu.memory_space<hbm>>
      tpu.wait_dma2 semaphore(%run_scoped3A_182 : memref<!tpu.dma_semaphore, #tpu.memory_space<semaphore_mem>>) src(%dma_wait3A_198 : memref<80x125xi32, #tpu.memory_space<hbm>>) dst(%arg6 : memref<80x125xi32, #tpu.memory_space<vmem>>)
      tpu.yield
    }) : () -> ()
    "tpu.region"() ({
      %run_scoped3A_182 = tpu.sem_alloc : memref<!tpu.dma_semaphore, #tpu.memory_space<semaphore_mem>>
      %dma_start3A_183 = arith.constant 80 : i32
      %dma_start3A_184 = arith.constant 0 : i32
      %dma_start3A_185 = tpu.memref_slice %arg3[%arg1, %dma_start3A_183, %dma_start3A_184] : memref<16x160x125xi32, #tpu.memory_space<hbm>> -> memref<1x80x125xi32, #tpu.memory_space<hbm>>
      %dma_start3A_186 = tpu.memref_squeeze %dma_start3A_185 : memref<1x80x125xi32, #tpu.memory_space<hbm>> -> memref<80x125xi32, #tpu.memory_space<hbm>>
      %dma_start3A_187 = arith.constant 80 : i32
      %dma_start3A_188 = arith.constant 0 : i32
      %dma_start3A_189 = tpu.memref_slice %arg3[%arg1, %dma_start3A_187, %dma_start3A_188] : memref<16x160x125xi32, #tpu.memory_space<hbm>> -> memref<1x80x125xi32, #tpu.memory_space<hbm>>
      %dma_start3A_190 = tpu.memref_squeeze %dma_start3A_189 : memref<1x80x125xi32, #tpu.memory_space<hbm>> -> memref<80x125xi32, #tpu.memory_space<hbm>>
      tpu.enqueue_dma source(%dma_start3A_190 : memref<80x125xi32, #tpu.memory_space<hbm>>) target(%arg7 : memref<80x125xi32, #tpu.memory_space<vmem>>) target_semaphore(%run_scoped3A_182 : memref<!tpu.dma_semaphore, #tpu.memory_space<semaphore_mem>>)
      %dma_wait3A_191 = arith.constant 80 : i32
      %dma_wait3A_192 = arith.constant 0 : i32
      %dma_wait3A_193 = tpu.memref_slice %arg3[%arg1, %dma_wait3A_191, %dma_wait3A_192] : memref<16x160x125xi32, #tpu.memory_space<hbm>> -> memref<1x80x125xi32, #tpu.memory_space<hbm>>
      %dma_wait3A_194 = tpu.memref_squeeze %dma_wait3A_193 : memref<1x80x125xi32, #tpu.memory_space<hbm>> -> memref<80x125xi32, #tpu.memory_space<hbm>>
      %dma_wait3A_195 = arith.constant 80 : i32
      %dma_wait3A_196 = arith.constant 0 : i32
      %dma_wait3A_197 = tpu.memref_slice %arg3[%arg1, %dma_wait3A_195, %dma_wait3A_196] : memref<16x160x125xi32, #tpu.memory_space<hbm>> -> memref<1x80x125xi32, #tpu.memory_space<hbm>>
      %dma_wait3A_198 = tpu.memref_squeeze %dma_wait3A_197 : memref<1x80x125xi32, #tpu.memory_space<hbm>> -> memref<80x125xi32, #tpu.memory_space<hbm>>
      tpu.wait_dma2 semaphore(%run_scoped3A_182 : memref<!tpu.dma_semaphore, #tpu.memory_space<semaphore_mem>>) src(%dma_wait3A_198 : memref<80x125xi32, #tpu.memory_space<hbm>>) dst(%arg7 : memref<80x125xi32, #tpu.memory_space<vmem>>)
      tpu.yield
    }) : () -> ()
    %dma_start3A_106 = arith.constant 0 : i32
    %dma_start3A_107 = arith.constant 0 : i32
    %dma_start3A_108 = arith.constant 0 : i32
    %dma_start3A_109 = arith.constant 0 : i32
    %dma_start3A_110 = arith.constant 0 : i32
    %dma_start3A_111 = tpu.memref_slice %arg8[%dma_start3A_107, %dma_start3A_109, %dma_start3A_110] : memref<2x125x64xf32, #tpu.memory_space<vmem>> -> memref<1x125x64xf32, #tpu.memory_space<vmem>>
    %dma_start3A_112 = tpu.memref_squeeze %dma_start3A_111 : memref<1x125x64xf32, #tpu.memory_space<vmem>> -> memref<125x64xf32, #tpu.memory_space<vmem>>
    %dma_start3A_113 = arith.constant 0 : i32
    %dma_start3A_114 = tpu.memref_slice %arg6[%dma_start3A_106, %dma_start3A_113] : memref<80x125xi32, #tpu.memory_space<vmem>> -> memref<1x125xi32, #tpu.memory_space<vmem>>
    %dma_start3A_115 = tpu.memref_squeeze %dma_start3A_114 : memref<1x125xi32, #tpu.memory_space<vmem>> -> memref<125xi32, #tpu.memory_space<vmem>>
    %dma_start3A_116 = arith.constant 0 : i32
    %dma_start3A_117 = arith.constant 0 : i32
    %dma_start3A_118 = tpu.memref_slice %arg10[%dma_start3A_116, %dma_start3A_117] : memref<10240x64xf32, #tpu.memory_space<vmem_shared>> -> memref<10240x64xf32, #tpu.memory_space<vmem_shared>>
    %dma_start3A_119 = tpu.memref_slice %arg9[%dma_start3A_108] : memref<2x!tpu.dma_semaphore, #tpu.memory_space<semaphore_mem>> -> memref<1x!tpu.dma_semaphore, #tpu.memory_space<semaphore_mem>>
    %dma_start3A_120 = tpu.memref_squeeze %dma_start3A_119 : memref<1x!tpu.dma_semaphore, #tpu.memory_space<semaphore_mem>> -> memref<!tpu.dma_semaphore, #tpu.memory_space<semaphore_mem>>
    tpu.enqueue_indirect_dma source(%dma_start3A_118 : memref<10240x64xf32, #tpu.memory_space<vmem_shared>>) target(%dma_start3A_112 : memref<125x64xf32, #tpu.memory_space<vmem>>) offsets(%dma_start3A_115 : memref<125xi32, #tpu.memory_space<vmem>>) semaphore(%dma_start3A_120 : memref<!tpu.dma_semaphore, #tpu.memory_space<semaphore_mem>>)
    %dma_start3A_121 = arith.constant 1 : i32
    %dma_start3A_122 = arith.constant 1 : i32
    %dma_start3A_123 = arith.constant 1 : i32
    %dma_start3A_124 = arith.constant 0 : i32
    %dma_start3A_125 = arith.constant 0 : i32
    %dma_start3A_126 = tpu.memref_slice %arg8[%dma_start3A_122, %dma_start3A_124, %dma_start3A_125] : memref<2x125x64xf32, #tpu.memory_space<vmem>> -> memref<1x125x64xf32, #tpu.memory_space<vmem>>
    %dma_start3A_127 = tpu.memref_squeeze %dma_start3A_126 : memref<1x125x64xf32, #tpu.memory_space<vmem>> -> memref<125x64xf32, #tpu.memory_space<vmem>>
    %dma_start3A_128 = arith.constant 0 : i32
    %dma_start3A_129 = tpu.memref_slice %arg6[%dma_start3A_121, %dma_start3A_128] : memref<80x125xi32, #tpu.memory_space<vmem>> -> memref<1x125xi32, #tpu.memory_space<vmem>>
    %dma_start3A_130 = tpu.memref_squeeze %dma_start3A_129 : memref<1x125xi32, #tpu.memory_space<vmem>> -> memref<125xi32, #tpu.memory_space<vmem>>
    %dma_start3A_131 = arith.constant 0 : i32
    %dma_start3A_132 = arith.constant 0 : i32
    %dma_start3A_133 = tpu.memref_slice %arg10[%dma_start3A_131, %dma_start3A_132] : memref<10240x64xf32, #tpu.memory_space<vmem_shared>> -> memref<10240x64xf32, #tpu.memory_space<vmem_shared>>
    %dma_start3A_134 = tpu.memref_slice %arg9[%dma_start3A_123] : memref<2x!tpu.dma_semaphore, #tpu.memory_space<semaphore_mem>> -> memref<1x!tpu.dma_semaphore, #tpu.memory_space<semaphore_mem>>
    %dma_start3A_135 = tpu.memref_squeeze %dma_start3A_134 : memref<1x!tpu.dma_semaphore, #tpu.memory_space<semaphore_mem>> -> memref<!tpu.dma_semaphore, #tpu.memory_space<semaphore_mem>>
    tpu.enqueue_indirect_dma source(%dma_start3A_133 : memref<10240x64xf32, #tpu.memory_space<vmem_shared>>) target(%dma_start3A_127 : memref<125x64xf32, #tpu.memory_space<vmem>>) offsets(%dma_start3A_130 : memref<125xi32, #tpu.memory_space<vmem>>) semaphore(%dma_start3A_135 : memref<!tpu.dma_semaphore, #tpu.memory_space<semaphore_mem>>)
    %scan3A_136 = arith.constant 0 : i32
    %scan3A_137 = arith.constant 0 : i32
    %scan3A_138 = arith.constant 39 : i32
    %scan3A_139 = arith.addi %scan3A_137, %scan3A_138 : i32
    %scan3A_140 = arith.constant 1 : i32
    %scan3A_141 = scf.for %scan3A_182 = %scan3A_137 to %scan3A_139 step %scan3A_140 iter_args(%scan3A_183 = %scan3A_136) -> (i32)  : i32 {
      %mul3A_184 = arith.constant 2 : i32
      %mul3A_185 = arith.muli %scan3A_182, %mul3A_184 : i32
      %add3A_186 = arith.constant 0 : i32
      %add3A_187 = arith.addi %mul3A_185, %add3A_186 : i32
      %dma_wait3A_188 = arith.constant 0 : i32
      %dma_wait3A_189 = arith.constant 0 : i32
      %dma_wait3A_190 = arith.constant 0 : i32
      %dma_wait3A_191 = arith.constant 0 : i32
      %dma_wait3A_192 = tpu.memref_slice %arg8[%dma_wait3A_188, %dma_wait3A_190, %dma_wait3A_191] : memref<2x125x64xf32, #tpu.memory_space<vmem>> -> memref<1x125x64xf32, #tpu.memory_space<vmem>>
      %dma_wait3A_193 = tpu.memref_squeeze %dma_wait3A_192 : memref<1x125x64xf32, #tpu.memory_space<vmem>> -> memref<125x64xf32, #tpu.memory_space<vmem>>
      %dma_wait3A_194 = arith.constant 0 : i32
      %dma_wait3A_195 = tpu.memref_slice %arg6[%add3A_187, %dma_wait3A_194] : memref<80x125xi32, #tpu.memory_space<vmem>> -> memref<1x125xi32, #tpu.memory_space<vmem>>
      %dma_wait3A_196 = tpu.memref_squeeze %dma_wait3A_195 : memref<1x125xi32, #tpu.memory_space<vmem>> -> memref<125xi32, #tpu.memory_space<vmem>>
      %dma_wait3A_197 = arith.constant 0 : i32
      %dma_wait3A_198 = arith.constant 0 : i32
      %dma_wait3A_199 = tpu.memref_slice %arg10[%dma_wait3A_197, %dma_wait3A_198] : memref<10240x64xf32, #tpu.memory_space<vmem_shared>> -> memref<10240x64xf32, #tpu.memory_space<vmem_shared>>
      %dma_wait3A_200 = tpu.memref_slice %arg9[%dma_wait3A_189] : memref<2x!tpu.dma_semaphore, #tpu.memory_space<semaphore_mem>> -> memref<1x!tpu.dma_semaphore, #tpu.memory_space<semaphore_mem>>
      %dma_wait3A_201 = tpu.memref_squeeze %dma_wait3A_200 : memref<1x!tpu.dma_semaphore, #tpu.memory_space<semaphore_mem>> -> memref<!tpu.dma_semaphore, #tpu.memory_space<semaphore_mem>>
      tpu.wait_indirect_dma semaphore(%dma_wait3A_201 : memref<!tpu.dma_semaphore, #tpu.memory_space<semaphore_mem>>) src(%dma_wait3A_199 : memref<10240x64xf32, #tpu.memory_space<vmem_shared>>) dst(%dma_wait3A_193 : memref<125x64xf32, #tpu.memory_space<vmem>>)
      %run_scoped3A_202 = arith.constant 0 : i32
      "tpu.region"() ({
        %run_scoped3A_255 = tpu.sem_alloc : memref<!tpu.dma_semaphore, #tpu.memory_space<semaphore_mem>>
        %dma_start3A_256 = arith.constant 0 : i32
        %dma_start3A_257 = arith.constant 0 : i32
        %dma_start3A_258 = tpu.memref_slice %arg8[%run_scoped3A_202, %dma_start3A_256, %dma_start3A_257] : memref<2x125x64xf32, #tpu.memory_space<vmem>> -> memref<1x125x64xf32, #tpu.memory_space<vmem>>
        %dma_start3A_259 = tpu.memref_squeeze %dma_start3A_258 : memref<1x125x64xf32, #tpu.memory_space<vmem>> -> memref<125x64xf32, #tpu.memory_space<vmem>>
        %dma_start3A_260 = arith.constant 0 : i32
        %dma_start3A_261 = tpu.memref_slice %arg7[%add3A_187, %dma_start3A_260] : memref<80x125xi32, #tpu.memory_space<vmem>> -> memref<1x125xi32, #tpu.memory_space<vmem>>
        %dma_start3A_262 = tpu.memref_squeeze %dma_start3A_261 : memref<1x125xi32, #tpu.memory_space<vmem>> -> memref<125xi32, #tpu.memory_space<vmem>>
        %dma_start3A_263 = arith.constant 0 : i32
        %dma_start3A_264 = arith.constant 0 : i32
        %dma_start3A_265 = tpu.memref_slice %arg11[%dma_start3A_263, %dma_start3A_264] : memref<10240x64xf32, #tpu.memory_space<vmem_shared>> -> memref<10240x64xf32, #tpu.memory_space<vmem_shared>>
        tpu.enqueue_indirect_dma source(%dma_start3A_259 : memref<125x64xf32, #tpu.memory_space<vmem>>) target(%dma_start3A_265 : memref<10240x64xf32, #tpu.memory_space<vmem_shared>>) offsets(%dma_start3A_262 : memref<125xi32, #tpu.memory_space<vmem>>) semaphore(%run_scoped3A_255 : memref<!tpu.dma_semaphore, #tpu.memory_space<semaphore_mem>>) {add = true}
        %dma_wait3A_266 = arith.constant 0 : i32
        %dma_wait3A_267 = arith.constant 0 : i32
        %dma_wait3A_268 = tpu.memref_slice %arg8[%run_scoped3A_202, %dma_wait3A_266, %dma_wait3A_267] : memref<2x125x64xf32, #tpu.memory_space<vmem>> -> memref<1x125x64xf32, #tpu.memory_space<vmem>>
        %dma_wait3A_269 = tpu.memref_squeeze %dma_wait3A_268 : memref<1x125x64xf32, #tpu.memory_space<vmem>> -> memref<125x64xf32, #tpu.memory_space<vmem>>
        %dma_wait3A_270 = arith.constant 0 : i32
        %dma_wait3A_271 = tpu.memref_slice %arg7[%add3A_187, %dma_wait3A_270] : memref<80x125xi32, #tpu.memory_space<vmem>> -> memref<1x125xi32, #tpu.memory_space<vmem>>
        %dma_wait3A_272 = tpu.memref_squeeze %dma_wait3A_271 : memref<1x125xi32, #tpu.memory_space<vmem>> -> memref<125xi32, #tpu.memory_space<vmem>>
        %dma_wait3A_273 = arith.constant 0 : i32
        %dma_wait3A_274 = arith.constant 0 : i32
        %dma_wait3A_275 = tpu.memref_slice %arg11[%dma_wait3A_273, %dma_wait3A_274] : memref<10240x64xf32, #tpu.memory_space<vmem_shared>> -> memref<10240x64xf32, #tpu.memory_space<vmem_shared>>
        tpu.wait_indirect_dma semaphore(%run_scoped3A_255 : memref<!tpu.dma_semaphore, #tpu.memory_space<semaphore_mem>>) src(%dma_wait3A_269 : memref<125x64xf32, #tpu.memory_space<vmem>>) dst(%dma_wait3A_275 : memref<10240x64xf32, #tpu.memory_space<vmem_shared>>)
        tpu.yield
      }) : () -> ()
      %add3A_203 = arith.constant 2 : i32
      %add3A_204 = arith.addi %add3A_187, %add3A_203 : i32
      %dma_start3A_205 = arith.constant 0 : i32
      %dma_start3A_206 = arith.constant 0 : i32
      %dma_start3A_207 = arith.constant 0 : i32
      %dma_start3A_208 = arith.constant 0 : i32
      %dma_start3A_209 = tpu.memref_slice %arg8[%dma_start3A_205, %dma_start3A_207, %dma_start3A_208] : memref<2x125x64xf32, #tpu.memory_space<vmem>> -> memref<1x125x64xf32, #tpu.memory_space<vmem>>
      %dma_start3A_210 = tpu.memref_squeeze %dma_start3A_209 : memref<1x125x64xf32, #tpu.memory_space<vmem>> -> memref<125x64xf32, #tpu.memory_space<vmem>>
      %dma_start3A_211 = arith.constant 0 : i32
      %dma_start3A_212 = tpu.memref_slice %arg6[%add3A_204, %dma_start3A_211] : memref<80x125xi32, #tpu.memory_space<vmem>> -> memref<1x125xi32, #tpu.memory_space<vmem>>
      %dma_start3A_213 = tpu.memref_squeeze %dma_start3A_212 : memref<1x125xi32, #tpu.memory_space<vmem>> -> memref<125xi32, #tpu.memory_space<vmem>>
      %dma_start3A_214 = arith.constant 0 : i32
      %dma_start3A_215 = arith.constant 0 : i32
      %dma_start3A_216 = tpu.memref_slice %arg10[%dma_start3A_214, %dma_start3A_215] : memref<10240x64xf32, #tpu.memory_space<vmem_shared>> -> memref<10240x64xf32, #tpu.memory_space<vmem_shared>>
      %dma_start3A_217 = tpu.memref_slice %arg9[%dma_start3A_206] : memref<2x!tpu.dma_semaphore, #tpu.memory_space<semaphore_mem>> -> memref<1x!tpu.dma_semaphore, #tpu.memory_space<semaphore_mem>>
      %dma_start3A_218 = tpu.memref_squeeze %dma_start3A_217 : memref<1x!tpu.dma_semaphore, #tpu.memory_space<semaphore_mem>> -> memref<!tpu.dma_semaphore, #tpu.memory_space<semaphore_mem>>
      tpu.enqueue_indirect_dma source(%dma_start3A_216 : memref<10240x64xf32, #tpu.memory_space<vmem_shared>>) target(%dma_start3A_210 : memref<125x64xf32, #tpu.memory_space<vmem>>) offsets(%dma_start3A_213 : memref<125xi32, #tpu.memory_space<vmem>>) semaphore(%dma_start3A_218 : memref<!tpu.dma_semaphore, #tpu.memory_space<semaphore_mem>>)
      %mul3A_219 = arith.constant 2 : i32
      %mul3A_220 = arith.muli %scan3A_182, %mul3A_219 : i32
      %add3A_221 = arith.constant 1 : i32
      %add3A_222 = arith.addi %mul3A_220, %add3A_221 : i32
      %dma_wait3A_223 = arith.constant 1 : i32
      %dma_wait3A_224 = arith.constant 1 : i32
      %dma_wait3A_225 = arith.constant 0 : i32
      %dma_wait3A_226 = arith.constant 0 : i32
      %dma_wait3A_227 = tpu.memref_slice %arg8[%dma_wait3A_223, %dma_wait3A_225, %dma_wait3A_226] : memref<2x125x64xf32, #tpu.memory_space<vmem>> -> memref<1x125x64xf32, #tpu.memory_space<vmem>>
      %dma_wait3A_228 = tpu.memref_squeeze %dma_wait3A_227 : memref<1x125x64xf32, #tpu.memory_space<vmem>> -> memref<125x64xf32, #tpu.memory_space<vmem>>
      %dma_wait3A_229 = arith.constant 0 : i32
      %dma_wait3A_230 = tpu.memref_slice %arg6[%add3A_222, %dma_wait3A_229] : memref<80x125xi32, #tpu.memory_space<vmem>> -> memref<1x125xi32, #tpu.memory_space<vmem>>
      %dma_wait3A_231 = tpu.memref_squeeze %dma_wait3A_230 : memref<1x125xi32, #tpu.memory_space<vmem>> -> memref<125xi32, #tpu.memory_space<vmem>>
      %dma_wait3A_232 = arith.constant 0 : i32
      %dma_wait3A_233 = arith.constant 0 : i32
      %dma_wait3A_234 = tpu.memref_slice %arg10[%dma_wait3A_232, %dma_wait3A_233] : memref<10240x64xf32, #tpu.memory_space<vmem_shared>> -> memref<10240x64xf32, #tpu.memory_space<vmem_shared>>
      %dma_wait3A_235 = tpu.memref_slice %arg9[%dma_wait3A_224] : memref<2x!tpu.dma_semaphore, #tpu.memory_space<semaphore_mem>> -> memref<1x!tpu.dma_semaphore, #tpu.memory_space<semaphore_mem>>
      %dma_wait3A_236 = tpu.memref_squeeze %dma_wait3A_235 : memref<1x!tpu.dma_semaphore, #tpu.memory_space<semaphore_mem>> -> memref<!tpu.dma_semaphore, #tpu.memory_space<semaphore_mem>>
      tpu.wait_indirect_dma semaphore(%dma_wait3A_236 : memref<!tpu.dma_semaphore, #tpu.memory_space<semaphore_mem>>) src(%dma_wait3A_234 : memref<10240x64xf32, #tpu.memory_space<vmem_shared>>) dst(%dma_wait3A_228 : memref<125x64xf32, #tpu.memory_space<vmem>>)
      %run_scoped3A_237 = arith.constant 1 : i32
      "tpu.region"() ({
        %run_scoped3A_255 = tpu.sem_alloc : memref<!tpu.dma_semaphore, #tpu.memory_space<semaphore_mem>>
        %dma_start3A_256 = arith.constant 0 : i32
        %dma_start3A_257 = arith.constant 0 : i32
        %dma_start3A_258 = tpu.memref_slice %arg8[%run_scoped3A_237, %dma_start3A_256, %dma_start3A_257] : memref<2x125x64xf32, #tpu.memory_space<vmem>> -> memref<1x125x64xf32, #tpu.memory_space<vmem>>
        %dma_start3A_259 = tpu.memref_squeeze %dma_start3A_258 : memref<1x125x64xf32, #tpu.memory_space<vmem>> -> memref<125x64xf32, #tpu.memory_space<vmem>>
        %dma_start3A_260 = arith.constant 0 : i32
        %dma_start3A_261 = tpu.memref_slice %arg7[%add3A_222, %dma_start3A_260] : memref<80x125xi32, #tpu.memory_space<vmem>> -> memref<1x125xi32, #tpu.memory_space<vmem>>
        %dma_start3A_262 = tpu.memref_squeeze %dma_start3A_261 : memref<1x125xi32, #tpu.memory_space<vmem>> -> memref<125xi32, #tpu.memory_space<vmem>>
        %dma_start3A_263 = arith.constant 0 : i32
        %dma_start3A_264 = arith.constant 0 : i32
        %dma_start3A_265 = tpu.memref_slice %arg11[%dma_start3A_263, %dma_start3A_264] : memref<10240x64xf32, #tpu.memory_space<vmem_shared>> -> memref<10240x64xf32, #tpu.memory_space<vmem_shared>>
        tpu.enqueue_indirect_dma source(%dma_start3A_259 : memref<125x64xf32, #tpu.memory_space<vmem>>) target(%dma_start3A_265 : memref<10240x64xf32, #tpu.memory_space<vmem_shared>>) offsets(%dma_start3A_262 : memref<125xi32, #tpu.memory_space<vmem>>) semaphore(%run_scoped3A_255 : memref<!tpu.dma_semaphore, #tpu.memory_space<semaphore_mem>>) {add = true}
        %dma_wait3A_266 = arith.constant 0 : i32
        %dma_wait3A_267 = arith.constant 0 : i32
        %dma_wait3A_268 = tpu.memref_slice %arg8[%run_scoped3A_237, %dma_wait3A_266, %dma_wait3A_267] : memref<2x125x64xf32, #tpu.memory_space<vmem>> -> memref<1x125x64xf32, #tpu.memory_space<vmem>>
        %dma_wait3A_269 = tpu.memref_squeeze %dma_wait3A_268 : memref<1x125x64xf32, #tpu.memory_space<vmem>> -> memref<125x64xf32, #tpu.memory_space<vmem>>
        %dma_wait3A_270 = arith.constant 0 : i32
        %dma_wait3A_271 = tpu.memref_slice %arg7[%add3A_222, %dma_wait3A_270] : memref<80x125xi32, #tpu.memory_space<vmem>> -> memref<1x125xi32, #tpu.memory_space<vmem>>
        %dma_wait3A_272 = tpu.memref_squeeze %dma_wait3A_271 : memref<1x125xi32, #tpu.memory_space<vmem>> -> memref<125xi32, #tpu.memory_space<vmem>>
        %dma_wait3A_273 = arith.constant 0 : i32
        %dma_wait3A_274 = arith.constant 0 : i32
        %dma_wait3A_275 = tpu.memref_slice %arg11[%dma_wait3A_273, %dma_wait3A_274] : memref<10240x64xf32, #tpu.memory_space<vmem_shared>> -> memref<10240x64xf32, #tpu.memory_space<vmem_shared>>
        tpu.wait_indirect_dma semaphore(%run_scoped3A_255 : memref<!tpu.dma_semaphore, #tpu.memory_space<semaphore_mem>>) src(%dma_wait3A_269 : memref<125x64xf32, #tpu.memory_space<vmem>>) dst(%dma_wait3A_275 : memref<10240x64xf32, #tpu.memory_space<vmem_shared>>)
        tpu.yield
      }) : () -> ()
      %add3A_238 = arith.constant 2 : i32
      %add3A_239 = arith.addi %add3A_222, %add3A_238 : i32
      %dma_start3A_240 = arith.constant 1 : i32
      %dma_start3A_241 = arith.constant 1 : i32
      %dma_start3A_242 = arith.constant 0 : i32
      %dma_start3A_243 = arith.constant 0 : i32
      %dma_start3A_244 = tpu.memref_slice %arg8[%dma_start3A_240, %dma_start3A_242, %dma_start3A_243] : memref<2x125x64xf32, #tpu.memory_space<vmem>> -> memref<1x125x64xf32, #tpu.memory_space<vmem>>
      %dma_start3A_245 = tpu.memref_squeeze %dma_start3A_244 : memref<1x125x64xf32, #tpu.memory_space<vmem>> -> memref<125x64xf32, #tpu.memory_space<vmem>>
      %dma_start3A_246 = arith.constant 0 : i32
      %dma_start3A_247 = tpu.memref_slice %arg6[%add3A_239, %dma_start3A_246] : memref<80x125xi32, #tpu.memory_space<vmem>> -> memref<1x125xi32, #tpu.memory_space<vmem>>
      %dma_start3A_248 = tpu.memref_squeeze %dma_start3A_247 : memref<1x125xi32, #tpu.memory_space<vmem>> -> memref<125xi32, #tpu.memory_space<vmem>>
      %dma_start3A_249 = arith.constant 0 : i32
      %dma_start3A_250 = arith.constant 0 : i32
      %dma_start3A_251 = tpu.memref_slice %arg10[%dma_start3A_249, %dma_start3A_250] : memref<10240x64xf32, #tpu.memory_space<vmem_shared>> -> memref<10240x64xf32, #tpu.memory_space<vmem_shared>>
      %dma_start3A_252 = tpu.memref_slice %arg9[%dma_start3A_241] : memref<2x!tpu.dma_semaphore, #tpu.memory_space<semaphore_mem>> -> memref<1x!tpu.dma_semaphore, #tpu.memory_space<semaphore_mem>>
      %dma_start3A_253 = tpu.memref_squeeze %dma_start3A_252 : memref<1x!tpu.dma_semaphore, #tpu.memory_space<semaphore_mem>> -> memref<!tpu.dma_semaphore, #tpu.memory_space<semaphore_mem>>
      tpu.enqueue_indirect_dma source(%dma_start3A_251 : memref<10240x64xf32, #tpu.memory_space<vmem_shared>>) target(%dma_start3A_245 : memref<125x64xf32, #tpu.memory_space<vmem>>) offsets(%dma_start3A_248 : memref<125xi32, #tpu.memory_space<vmem>>) semaphore(%dma_start3A_253 : memref<!tpu.dma_semaphore, #tpu.memory_space<semaphore_mem>>)
      %scan3A_254 = arith.constant 0 : i32
      scf.yield %scan3A_254 : i32
    }
    %scan3A_142 = arith.constant 39 : i32
    %dma_wait3A_143 = arith.constant 78 : i32
    %dma_wait3A_144 = arith.constant 0 : i32
    %dma_wait3A_145 = arith.constant 0 : i32
    %dma_wait3A_146 = arith.constant 0 : i32
    %dma_wait3A_147 = arith.constant 0 : i32
    %dma_wait3A_148 = tpu.memref_slice %arg8[%dma_wait3A_144, %dma_wait3A_146, %dma_wait3A_147] : memref<2x125x64xf32, #tpu.memory_space<vmem>> -> memref<1x125x64xf32, #tpu.memory_space<vmem>>
    %dma_wait3A_149 = tpu.memref_squeeze %dma_wait3A_148 : memref<1x125x64xf32, #tpu.memory_space<vmem>> -> memref<125x64xf32, #tpu.memory_space<vmem>>
    %dma_wait3A_150 = arith.constant 0 : i32
    %dma_wait3A_151 = tpu.memref_slice %arg6[%dma_wait3A_143, %dma_wait3A_150] : memref<80x125xi32, #tpu.memory_space<vmem>> -> memref<1x125xi32, #tpu.memory_space<vmem>>
    %dma_wait3A_152 = tpu.memref_squeeze %dma_wait3A_151 : memref<1x125xi32, #tpu.memory_space<vmem>> -> memref<125xi32, #tpu.memory_space<vmem>>
    %dma_wait3A_153 = arith.constant 0 : i32
    %dma_wait3A_154 = arith.constant 0 : i32
    %dma_wait3A_155 = tpu.memref_slice %arg10[%dma_wait3A_153, %dma_wait3A_154] : memref<10240x64xf32, #tpu.memory_space<vmem_shared>> -> memref<10240x64xf32, #tpu.memory_space<vmem_shared>>
    %dma_wait3A_156 = tpu.memref_slice %arg9[%dma_wait3A_145] : memref<2x!tpu.dma_semaphore, #tpu.memory_space<semaphore_mem>> -> memref<1x!tpu.dma_semaphore, #tpu.memory_space<semaphore_mem>>
    %dma_wait3A_157 = tpu.memref_squeeze %dma_wait3A_156 : memref<1x!tpu.dma_semaphore, #tpu.memory_space<semaphore_mem>> -> memref<!tpu.dma_semaphore, #tpu.memory_space<semaphore_mem>>
    tpu.wait_indirect_dma semaphore(%dma_wait3A_157 : memref<!tpu.dma_semaphore, #tpu.memory_space<semaphore_mem>>) src(%dma_wait3A_155 : memref<10240x64xf32, #tpu.memory_space<vmem_shared>>) dst(%dma_wait3A_149 : memref<125x64xf32, #tpu.memory_space<vmem>>)
    %run_scoped3A_158 = arith.constant 0 : i32
    %run_scoped3A_159 = arith.constant 78 : i32
    "tpu.region"() ({
      %run_scoped3A_182 = tpu.sem_alloc : memref<!tpu.dma_semaphore, #tpu.memory_space<semaphore_mem>>
      %dma_start3A_183 = arith.constant 0 : i32
      %dma_start3A_184 = arith.constant 0 : i32
      %dma_start3A_185 = tpu.memref_slice %arg8[%run_scoped3A_158, %dma_start3A_183, %dma_start3A_184] : memref<2x125x64xf32, #tpu.memory_space<vmem>> -> memref<1x125x64xf32, #tpu.memory_space<vmem>>
      %dma_start3A_186 = tpu.memref_squeeze %dma_start3A_185 : memref<1x125x64xf32, #tpu.memory_space<vmem>> -> memref<125x64xf32, #tpu.memory_space<vmem>>
      %dma_start3A_187 = arith.constant 0 : i32
      %dma_start3A_188 = tpu.memref_slice %arg7[%run_scoped3A_159, %dma_start3A_187] : memref<80x125xi32, #tpu.memory_space<vmem>> -> memref<1x125xi32, #tpu.memory_space<vmem>>
      %dma_start3A_189 = tpu.memref_squeeze %dma_start3A_188 : memref<1x125xi32, #tpu.memory_space<vmem>> -> memref<125xi32, #tpu.memory_space<vmem>>
      %dma_start3A_190 = arith.constant 0 : i32
      %dma_start3A_191 = arith.constant 0 : i32
      %dma_start3A_192 = tpu.memref_slice %arg11[%dma_start3A_190, %dma_start3A_191] : memref<10240x64xf32, #tpu.memory_space<vmem_shared>> -> memref<10240x64xf32, #tpu.memory_space<vmem_shared>>
      tpu.enqueue_indirect_dma source(%dma_start3A_186 : memref<125x64xf32, #tpu.memory_space<vmem>>) target(%dma_start3A_192 : memref<10240x64xf32, #tpu.memory_space<vmem_shared>>) offsets(%dma_start3A_189 : memref<125xi32, #tpu.memory_space<vmem>>) semaphore(%run_scoped3A_182 : memref<!tpu.dma_semaphore, #tpu.memory_space<semaphore_mem>>) {add = true}
      %dma_wait3A_193 = arith.constant 0 : i32
      %dma_wait3A_194 = arith.constant 0 : i32
      %dma_wait3A_195 = tpu.memref_slice %arg8[%run_scoped3A_158, %dma_wait3A_193, %dma_wait3A_194] : memref<2x125x64xf32, #tpu.memory_space<vmem>> -> memref<1x125x64xf32, #tpu.memory_space<vmem>>
      %dma_wait3A_196 = tpu.memref_squeeze %dma_wait3A_195 : memref<1x125x64xf32, #tpu.memory_space<vmem>> -> memref<125x64xf32, #tpu.memory_space<vmem>>
      %dma_wait3A_197 = arith.constant 0 : i32
      %dma_wait3A_198 = tpu.memref_slice %arg7[%run_scoped3A_159, %dma_wait3A_197] : memref<80x125xi32, #tpu.memory_space<vmem>> -> memref<1x125xi32, #tpu.memory_space<vmem>>
      %dma_wait3A_199 = tpu.memref_squeeze %dma_wait3A_198 : memref<1x125xi32, #tpu.memory_space<vmem>> -> memref<125xi32, #tpu.memory_space<vmem>>
      %dma_wait3A_200 = arith.constant 0 : i32
      %dma_wait3A_201 = arith.constant 0 : i32
      %dma_wait3A_202 = tpu.memref_slice %arg11[%dma_wait3A_200, %dma_wait3A_201] : memref<10240x64xf32, #tpu.memory_space<vmem_shared>> -> memref<10240x64xf32, #tpu.memory_space<vmem_shared>>
      tpu.wait_indirect_dma semaphore(%run_scoped3A_182 : memref<!tpu.dma_semaphore, #tpu.memory_space<semaphore_mem>>) src(%dma_wait3A_196 : memref<125x64xf32, #tpu.memory_space<vmem>>) dst(%dma_wait3A_202 : memref<10240x64xf32, #tpu.memory_space<vmem_shared>>)
      tpu.yield
    }) : () -> ()
    %dma_wait3A_160 = arith.constant 79 : i32
    %dma_wait3A_161 = arith.constant 1 : i32
    %dma_wait3A_162 = arith.constant 1 : i32
    %dma_wait3A_163 = arith.constant 0 : i32
    %dma_wait3A_164 = arith.constant 0 : i32
    %dma_wait3A_165 = tpu.memref_slice %arg8[%dma_wait3A_161, %dma_wait3A_163, %dma_wait3A_164] : memref<2x125x64xf32, #tpu.memory_space<vmem>> -> memref<1x125x64xf32, #tpu.memory_space<vmem>>
    %dma_wait3A_166 = tpu.memref_squeeze %dma_wait3A_165 : memref<1x125x64xf32, #tpu.memory_space<vmem>> -> memref<125x64xf32, #tpu.memory_space<vmem>>
    %dma_wait3A_167 = arith.constant 0 : i32
    %dma_wait3A_168 = tpu.memref_slice %arg6[%dma_wait3A_160, %dma_wait3A_167] : memref<80x125xi32, #tpu.memory_space<vmem>> -> memref<1x125xi32, #tpu.memory_space<vmem>>
    %dma_wait3A_169 = tpu.memref_squeeze %dma_wait3A_168 : memref<1x125xi32, #tpu.memory_space<vmem>> -> memref<125xi32, #tpu.memory_space<vmem>>
    %dma_wait3A_170 = arith.constant 0 : i32
    %dma_wait3A_171 = arith.constant 0 : i32
    %dma_wait3A_172 = tpu.memref_slice %arg10[%dma_wait3A_170, %dma_wait3A_171] : memref<10240x64xf32, #tpu.memory_space<vmem_shared>> -> memref<10240x64xf32, #tpu.memory_space<vmem_shared>>
    %dma_wait3A_173 = tpu.memref_slice %arg9[%dma_wait3A_162] : memref<2x!tpu.dma_semaphore, #tpu.memory_space<semaphore_mem>> -> memref<1x!tpu.dma_semaphore, #tpu.memory_space<semaphore_mem>>
    %dma_wait3A_174 = tpu.memref_squeeze %dma_wait3A_173 : memref<1x!tpu.dma_semaphore, #tpu.memory_space<semaphore_mem>> -> memref<!tpu.dma_semaphore, #tpu.memory_space<semaphore_mem>>
    tpu.wait_indirect_dma semaphore(%dma_wait3A_174 : memref<!tpu.dma_semaphore, #tpu.memory_space<semaphore_mem>>) src(%dma_wait3A_172 : memref<10240x64xf32, #tpu.memory_space<vmem_shared>>) dst(%dma_wait3A_166 : memref<125x64xf32, #tpu.memory_space<vmem>>)
    %run_scoped3A_175 = arith.constant 1 : i32
    %run_scoped3A_176 = arith.constant 79 : i32
    "tpu.region"() ({
      %run_scoped3A_182 = tpu.sem_alloc : memref<!tpu.dma_semaphore, #tpu.memory_space<semaphore_mem>>
      %dma_start3A_183 = arith.constant 0 : i32
      %dma_start3A_184 = arith.constant 0 : i32
      %dma_start3A_185 = tpu.memref_slice %arg8[%run_scoped3A_175, %dma_start3A_183, %dma_start3A_184] : memref<2x125x64xf32, #tpu.memory_space<vmem>> -> memref<1x125x64xf32, #tpu.memory_space<vmem>>
      %dma_start3A_186 = tpu.memref_squeeze %dma_start3A_185 : memref<1x125x64xf32, #tpu.memory_space<vmem>> -> memref<125x64xf32, #tpu.memory_space<vmem>>
      %dma_start3A_187 = arith.constant 0 : i32
      %dma_start3A_188 = tpu.memref_slice %arg7[%run_scoped3A_176, %dma_start3A_187] : memref<80x125xi32, #tpu.memory_space<vmem>> -> memref<1x125xi32, #tpu.memory_space<vmem>>
      %dma_start3A_189 = tpu.memref_squeeze %dma_start3A_188 : memref<1x125xi32, #tpu.memory_space<vmem>> -> memref<125xi32, #tpu.memory_space<vmem>>
      %dma_start3A_190 = arith.constant 0 : i32
      %dma_start3A_191 = arith.constant 0 : i32
      %dma_start3A_192 = tpu.memref_slice %arg11[%dma_start3A_190, %dma_start3A_191] : memref<10240x64xf32, #tpu.memory_space<vmem_shared>> -> memref<10240x64xf32, #tpu.memory_space<vmem_shared>>
      tpu.enqueue_indirect_dma source(%dma_start3A_186 : memref<125x64xf32, #tpu.memory_space<vmem>>) target(%dma_start3A_192 : memref<10240x64xf32, #tpu.memory_space<vmem_shared>>) offsets(%dma_start3A_189 : memref<125xi32, #tpu.memory_space<vmem>>) semaphore(%run_scoped3A_182 : memref<!tpu.dma_semaphore, #tpu.memory_space<semaphore_mem>>) {add = true}
      %dma_wait3A_193 = arith.constant 0 : i32
      %dma_wait3A_194 = arith.constant 0 : i32
      %dma_wait3A_195 = tpu.memref_slice %arg8[%run_scoped3A_175, %dma_wait3A_193, %dma_wait3A_194] : memref<2x125x64xf32, #tpu.memory_space<vmem>> -> memref<1x125x64xf32, #tpu.memory_space<vmem>>
      %dma_wait3A_196 = tpu.memref_squeeze %dma_wait3A_195 : memref<1x125x64xf32, #tpu.memory_space<vmem>> -> memref<125x64xf32, #tpu.memory_space<vmem>>
      %dma_wait3A_197 = arith.constant 0 : i32
      %dma_wait3A_198 = tpu.memref_slice %arg7[%run_scoped3A_176, %dma_wait3A_197] : memref<80x125xi32, #tpu.memory_space<vmem>> -> memref<1x125xi32, #tpu.memory_space<vmem>>
      %dma_wait3A_199 = tpu.memref_squeeze %dma_wait3A_198 : memref<1x125xi32, #tpu.memory_space<vmem>> -> memref<125xi32, #tpu.memory_space<vmem>>
      %dma_wait3A_200 = arith.constant 0 : i32
      %dma_wait3A_201 = arith.constant 0 : i32
      %dma_wait3A_202 = tpu.memref_slice %arg11[%dma_wait3A_200, %dma_wait3A_201] : memref<10240x64xf32, #tpu.memory_space<vmem_shared>> -> memref<10240x64xf32, #tpu.memory_space<vmem_shared>>
      tpu.wait_indirect_dma semaphore(%run_scoped3A_182 : memref<!tpu.dma_semaphore, #tpu.memory_space<semaphore_mem>>) src(%dma_wait3A_196 : memref<125x64xf32, #tpu.memory_space<vmem>>) dst(%dma_wait3A_202 : memref<10240x64xf32, #tpu.memory_space<vmem_shared>>)
      tpu.yield
    }) : () -> ()
    %barrier3A_177 = arith.constant 0 : index
    tpu.barrier barrier_id(%barrier3A_177)
    %mul3A_178 = arith.constant 640 : i32
    %mul3A_179 = arith.muli %arg1, %mul3A_178 : i32
    %mul3A_180 = arith.constant 640 : i32
    %mul3A_181 = arith.muli %arg1, %mul3A_180 : i32
    "tpu.region"() ({
      %run_scoped3A_182 = tpu.sem_alloc : memref<!tpu.dma_semaphore, #tpu.memory_space<semaphore_mem>>
      %dma_start3A_183 = arith.constant 0 : i32
      %dma_start3A_184 = tpu.memref_slice %arg5[%arg0, %mul3A_181, %dma_start3A_183] : memref<2x10240x64xf32, #tpu.memory_space<hbm>> -> memref<1x640x64xf32, #tpu.memory_space<hbm>>
      %dma_start3A_185 = tpu.memref_squeeze %dma_start3A_184 : memref<1x640x64xf32, #tpu.memory_space<hbm>> -> memref<640x64xf32, #tpu.memory_space<hbm>>
      %dma_start3A_186 = arith.constant 0 : i32
      %dma_start3A_187 = tpu.memref_slice %arg11[%mul3A_179, %dma_start3A_186] : memref<10240x64xf32, #tpu.memory_space<vmem_shared>> -> memref<640x64xf32, #tpu.memory_space<vmem_shared>>
      tpu.enqueue_dma source(%dma_start3A_187 : memref<640x64xf32, #tpu.memory_space<vmem_shared>>) target(%dma_start3A_185 : memref<640x64xf32, #tpu.memory_space<hbm>>) target_semaphore(%run_scoped3A_182 : memref<!tpu.dma_semaphore, #tpu.memory_space<semaphore_mem>>)
      %dma_wait3A_188 = arith.constant 0 : i32
      %dma_wait3A_189 = tpu.memref_slice %arg5[%arg0, %mul3A_181, %dma_wait3A_188] : memref<2x10240x64xf32, #tpu.memory_space<hbm>> -> memref<1x640x64xf32, #tpu.memory_space<hbm>>
      %dma_wait3A_190 = tpu.memref_squeeze %dma_wait3A_189 : memref<1x640x64xf32, #tpu.memory_space<hbm>> -> memref<640x64xf32, #tpu.memory_space<hbm>>
      %dma_wait3A_191 = arith.constant 0 : i32
      %dma_wait3A_192 = tpu.memref_slice %arg11[%mul3A_179, %dma_wait3A_191] : memref<10240x64xf32, #tpu.memory_space<vmem_shared>> -> memref<640x64xf32, #tpu.memory_space<vmem_shared>>
      tpu.wait_dma2 semaphore(%run_scoped3A_182 : memref<!tpu.dma_semaphore, #tpu.memory_space<semaphore_mem>>) src(%dma_wait3A_192 : memref<640x64xf32, #tpu.memory_space<vmem_shared>>) dst(%dma_wait3A_190 : memref<640x64xf32, #tpu.memory_space<hbm>>)
      tpu.yield
    }) : () -> ()
    return
  }
}

#map = affine_map<(d0, d1) -> (0, 0, 0)>
#map1 = affine_map<(d0, d1) -> (0, 0)>
module attributes {stable_mosaic.version = 14 : i64} {
  func.func @_deg_body(%arg0: i32, %arg1: i32, %arg2: memref<16x160x125xi32, #tpu.memory_space<hbm>>, %arg3: memref<2x10240xf32, #tpu.memory_space<hbm>>, %arg4: memref<80x125xi32, #tpu.memory_space<vmem>>, %arg5: memref<128xf32, #tpu.memory_space<vmem>>, %arg6: memref<640xf32, #tpu.memory_space<vmem>>, %arg7: memref<10240xf32, #tpu.memory_space<vmem_shared>>) attributes {dimension_semantics = [#tpu.dimension_semantics<core_parallel>, #tpu.dimension_semantics<subcore_parallel>], iteration_bounds = array<i64: 2, 16>, scalar_prefetch = 0 : i64, scratch_operands = 4 : i64, tpu.core_type = #tpu.core_type<sc_vector_subcore>, window_params = [{transform_indices = #map}, {transform_indices = #map1}]} {
    %scan3A = arith.constant 0 : i32
    %scan3A_0 = arith.constant 0 : i32
    %scan3A_1 = arith.constant 40 : i32
    %scan3A_2 = arith.addi %scan3A_0, %scan3A_1 : i32
    %scan3A_3 = arith.constant 1 : i32
    %scan3A_4 = scf.for %scan3A_28 = %scan3A_0 to %scan3A_2 step %scan3A_3 iter_args(%scan3A_29 = %scan3A) -> (i32)  : i32 {
      %broadcast_in_dim3A = arith.constant 0.000000e+00 : f32
      %broadcast_in_dim3A_30 = vector.broadcast %broadcast_in_dim3A : f32 to vector<16xf32>
      %mul3A_31 = arith.constant 16 : i32
      %mul3A_32 = arith.muli %scan3A_28, %mul3A_31 : i32
      %swap3A = arith.index_cast %mul3A_32 : i32 to index
      %swap3A_33 = tpu.vector_load %arg6[%swap3A] {strides = array<i32>} : memref<640xf32, #tpu.memory_space<vmem>>, vector<16xf32>,
      %swap3A_34 = vector.shape_cast %swap3A_33 : vector<16xf32> to vector<16xf32>
      %swap3A_35 = vector.shape_cast %broadcast_in_dim3A_30 : vector<16xf32> to vector<16xf32>
      tpu.vector_store %arg6[%swap3A], %swap3A_35 {strides = array<i32>} : memref<640xf32, #tpu.memory_space<vmem>>, vector<16xf32>,
      %scan3A_36 = arith.constant 0 : i32
      scf.yield %scan3A_36 : i32
    }
    %scan3A_5 = arith.constant 40 : i32
    %mul3A = arith.constant 640 : i32
    %mul3A_6 = arith.muli %arg1, %mul3A : i32
    "tpu.region"() ({
      %run_scoped3A = tpu.sem_alloc : memref<!tpu.dma_semaphore, #tpu.memory_space<semaphore_mem>>
      %dma_start3A = tpu.memref_slice %arg7[%mul3A_6] : memref<10240xf32, #tpu.memory_space<vmem_shared>> -> memref<640xf32, #tpu.memory_space<vmem_shared>>
      %dma_start3A_28 = tpu.memref_slice %arg7[%mul3A_6] : memref<10240xf32, #tpu.memory_space<vmem_shared>> -> memref<640xf32, #tpu.memory_space<vmem_shared>>
      tpu.enqueue_dma source(%arg6 : memref<640xf32, #tpu.memory_space<vmem>>) target(%dma_start3A_28 : memref<640xf32, #tpu.memory_space<vmem_shared>>) target_semaphore(%run_scoped3A : memref<!tpu.dma_semaphore, #tpu.memory_space<semaphore_mem>>)
      %dma_wait3A = tpu.memref_slice %arg7[%mul3A_6] : memref<10240xf32, #tpu.memory_space<vmem_shared>> -> memref<640xf32, #tpu.memory_space<vmem_shared>>
      %dma_wait3A_29 = tpu.memref_slice %arg7[%mul3A_6] : memref<10240xf32, #tpu.memory_space<vmem_shared>> -> memref<640xf32, #tpu.memory_space<vmem_shared>>
      tpu.wait_dma2 semaphore(%run_scoped3A : memref<!tpu.dma_semaphore, #tpu.memory_space<semaphore_mem>>) src(%arg6 : memref<640xf32, #tpu.memory_space<vmem>>) dst(%dma_wait3A_29 : memref<640xf32, #tpu.memory_space<vmem_shared>>)
      tpu.yield
    }) : () -> ()
    %scan3A_7 = arith.constant 0 : i32
    %scan3A_8 = arith.constant 0 : i32
    %scan3A_9 = arith.constant 8 : i32
    %scan3A_10 = arith.addi %scan3A_8, %scan3A_9 : i32
    %scan3A_11 = arith.constant 1 : i32
    %scan3A_12 = scf.for %scan3A_28 = %scan3A_8 to %scan3A_10 step %scan3A_11 iter_args(%scan3A_29 = %scan3A_7) -> (i32)  : i32 {
      %broadcast_in_dim3A = arith.constant 1.000000e+00 : f32
      %broadcast_in_dim3A_30 = vector.broadcast %broadcast_in_dim3A : f32 to vector<16xf32>
      %mul3A_31 = arith.constant 16 : i32
      %mul3A_32 = arith.muli %scan3A_28, %mul3A_31 : i32
      %swap3A = arith.index_cast %mul3A_32 : i32 to index
      %swap3A_33 = tpu.vector_load %arg5[%swap3A] {strides = array<i32>} : memref<128xf32, #tpu.memory_space<vmem>>, vector<16xf32>,
      %swap3A_34 = vector.shape_cast %swap3A_33 : vector<16xf32> to vector<16xf32>
      %swap3A_35 = vector.shape_cast %broadcast_in_dim3A_30 : vector<16xf32> to vector<16xf32>
      tpu.vector_store %arg5[%swap3A], %swap3A_35 {strides = array<i32>} : memref<128xf32, #tpu.memory_space<vmem>>, vector<16xf32>,
      %scan3A_36 = arith.constant 0 : i32
      scf.yield %scan3A_36 : i32
    }
    %scan3A_13 = arith.constant 8 : i32
    %mul3A_14 = arith.constant 80 : i32
    %mul3A_15 = arith.muli %arg0, %mul3A_14 : i32
    "tpu.region"() ({
      %run_scoped3A = tpu.sem_alloc : memref<!tpu.dma_semaphore, #tpu.memory_space<semaphore_mem>>
      %dma_start3A = arith.constant 0 : i32
      %dma_start3A_28 = tpu.memref_slice %arg2[%arg1, %mul3A_15, %dma_start3A] : memref<16x160x125xi32, #tpu.memory_space<hbm>> -> memref<1x80x125xi32, #tpu.memory_space<hbm>>
      %dma_start3A_29 = tpu.memref_squeeze %dma_start3A_28 : memref<1x80x125xi32, #tpu.memory_space<hbm>> -> memref<80x125xi32, #tpu.memory_space<hbm>>
      %dma_start3A_30 = arith.constant 0 : i32
      %dma_start3A_31 = tpu.memref_slice %arg2[%arg1, %mul3A_15, %dma_start3A_30] : memref<16x160x125xi32, #tpu.memory_space<hbm>> -> memref<1x80x125xi32, #tpu.memory_space<hbm>>
      %dma_start3A_32 = tpu.memref_squeeze %dma_start3A_31 : memref<1x80x125xi32, #tpu.memory_space<hbm>> -> memref<80x125xi32, #tpu.memory_space<hbm>>
      tpu.enqueue_dma source(%dma_start3A_32 : memref<80x125xi32, #tpu.memory_space<hbm>>) target(%arg4 : memref<80x125xi32, #tpu.memory_space<vmem>>) target_semaphore(%run_scoped3A : memref<!tpu.dma_semaphore, #tpu.memory_space<semaphore_mem>>)
      %dma_wait3A = arith.constant 0 : i32
      %dma_wait3A_33 = tpu.memref_slice %arg2[%arg1, %mul3A_15, %dma_wait3A] : memref<16x160x125xi32, #tpu.memory_space<hbm>> -> memref<1x80x125xi32, #tpu.memory_space<hbm>>
      %dma_wait3A_34 = tpu.memref_squeeze %dma_wait3A_33 : memref<1x80x125xi32, #tpu.memory_space<hbm>> -> memref<80x125xi32, #tpu.memory_space<hbm>>
      %dma_wait3A_35 = arith.constant 0 : i32
      %dma_wait3A_36 = tpu.memref_slice %arg2[%arg1, %mul3A_15, %dma_wait3A_35] : memref<16x160x125xi32, #tpu.memory_space<hbm>> -> memref<1x80x125xi32, #tpu.memory_space<hbm>>
      %dma_wait3A_37 = tpu.memref_squeeze %dma_wait3A_36 : memref<1x80x125xi32, #tpu.memory_space<hbm>> -> memref<80x125xi32, #tpu.memory_space<hbm>>
      tpu.wait_dma2 semaphore(%run_scoped3A : memref<!tpu.dma_semaphore, #tpu.memory_space<semaphore_mem>>) src(%dma_wait3A_37 : memref<80x125xi32, #tpu.memory_space<hbm>>) dst(%arg4 : memref<80x125xi32, #tpu.memory_space<vmem>>)
      tpu.yield
    }) : () -> ()
    %barrier3A = arith.constant 0 : index
    tpu.barrier barrier_id(%barrier3A)
    %scan3A_16 = arith.constant 0 : i32
    %scan3A_17 = arith.constant 0 : i32
    %scan3A_18 = arith.constant 80 : i32
    %scan3A_19 = arith.addi %scan3A_17, %scan3A_18 : i32
    %scan3A_20 = arith.constant 1 : i32
    %scan3A_21 = scf.for %scan3A_28 = %scan3A_17 to %scan3A_19 step %scan3A_20 iter_args(%scan3A_29 = %scan3A_16) -> (i32)  : i32 {
      "tpu.region"() ({
        %run_scoped3A = tpu.sem_alloc : memref<!tpu.dma_semaphore, #tpu.memory_space<semaphore_mem>>
        %dma_start3A = arith.constant 0 : i32
        %dma_start3A_31 = tpu.memref_slice %arg5[%dma_start3A] : memref<128xf32, #tpu.memory_space<vmem>> -> memref<125xf32, #tpu.memory_space<vmem>>
        %dma_start3A_32 = arith.constant 0 : i32
        %dma_start3A_33 = tpu.memref_slice %arg4[%scan3A_28, %dma_start3A_32] : memref<80x125xi32, #tpu.memory_space<vmem>> -> memref<1x125xi32, #tpu.memory_space<vmem>>
        %dma_start3A_34 = tpu.memref_squeeze %dma_start3A_33 : memref<1x125xi32, #tpu.memory_space<vmem>> -> memref<125xi32, #tpu.memory_space<vmem>>
        %dma_start3A_35 = arith.constant 0 : i32
        %dma_start3A_36 = tpu.memref_slice %arg7[%dma_start3A_35] : memref<10240xf32, #tpu.memory_space<vmem_shared>> -> memref<10240xf32, #tpu.memory_space<vmem_shared>>
        tpu.enqueue_indirect_dma source(%dma_start3A_31 : memref<125xf32, #tpu.memory_space<vmem>>) target(%dma_start3A_36 : memref<10240xf32, #tpu.memory_space<vmem_shared>>) offsets(%dma_start3A_34 : memref<125xi32, #tpu.memory_space<vmem>>) semaphore(%run_scoped3A : memref<!tpu.dma_semaphore, #tpu.memory_space<semaphore_mem>>) {add = true}
        %dma_wait3A = arith.constant 0 : i32
        %dma_wait3A_37 = tpu.memref_slice %arg5[%dma_wait3A] : memref<128xf32, #tpu.memory_space<vmem>> -> memref<125xf32, #tpu.memory_space<vmem>>
        %dma_wait3A_38 = arith.constant 0 : i32
        %dma_wait3A_39 = tpu.memref_slice %arg4[%scan3A_28, %dma_wait3A_38] : memref<80x125xi32, #tpu.memory_space<vmem>> -> memref<1x125xi32, #tpu.memory_space<vmem>>
        %dma_wait3A_40 = tpu.memref_squeeze %dma_wait3A_39 : memref<1x125xi32, #tpu.memory_space<vmem>> -> memref<125xi32, #tpu.memory_space<vmem>>
        %dma_wait3A_41 = arith.constant 0 : i32
        %dma_wait3A_42 = tpu.memref_slice %arg7[%dma_wait3A_41] : memref<10240xf32, #tpu.memory_space<vmem_shared>> -> memref<10240xf32, #tpu.memory_space<vmem_shared>>
        tpu.wait_indirect_dma semaphore(%run_scoped3A : memref<!tpu.dma_semaphore, #tpu.memory_space<semaphore_mem>>) src(%dma_wait3A_37 : memref<125xf32, #tpu.memory_space<vmem>>) dst(%dma_wait3A_42 : memref<10240xf32, #tpu.memory_space<vmem_shared>>)
        tpu.yield
      }) : () -> ()
      %scan3A_30 = arith.constant 0 : i32
      scf.yield %scan3A_30 : i32
    }
    %scan3A_22 = arith.constant 80 : i32
    %barrier3A_23 = arith.constant 0 : index
    tpu.barrier barrier_id(%barrier3A_23)
    %mul3A_24 = arith.constant 640 : i32
    %mul3A_25 = arith.muli %arg1, %mul3A_24 : i32
    %mul3A_26 = arith.constant 640 : i32
    %mul3A_27 = arith.muli %arg1, %mul3A_26 : i32
    "tpu.region"() ({
      %run_scoped3A = tpu.sem_alloc : memref<!tpu.dma_semaphore, #tpu.memory_space<semaphore_mem>>
      %dma_start3A = tpu.memref_slice %arg3[%arg0, %mul3A_27] : memref<2x10240xf32, #tpu.memory_space<hbm>> -> memref<1x640xf32, #tpu.memory_space<hbm>>
      %dma_start3A_28 = tpu.memref_squeeze %dma_start3A : memref<1x640xf32, #tpu.memory_space<hbm>> -> memref<640xf32, #tpu.memory_space<hbm>>
      %dma_start3A_29 = tpu.memref_slice %arg7[%mul3A_25] : memref<10240xf32, #tpu.memory_space<vmem_shared>> -> memref<640xf32, #tpu.memory_space<vmem_shared>>
      tpu.enqueue_dma source(%dma_start3A_29 : memref<640xf32, #tpu.memory_space<vmem_shared>>) target(%dma_start3A_28 : memref<640xf32, #tpu.memory_space<hbm>>) target_semaphore(%run_scoped3A : memref<!tpu.dma_semaphore, #tpu.memory_space<semaphore_mem>>)
      %dma_wait3A = tpu.memref_slice %arg3[%arg0, %mul3A_27] : memref<2x10240xf32, #tpu.memory_space<hbm>> -> memref<1x640xf32, #tpu.memory_space<hbm>>
      %dma_wait3A_30 = tpu.memref_squeeze %dma_wait3A : memref<1x640xf32, #tpu.memory_space<hbm>> -> memref<640xf32, #tpu.memory_space<hbm>>
      %dma_wait3A_31 = tpu.memref_slice %arg7[%mul3A_25] : memref<10240xf32, #tpu.memory_space<vmem_shared>> -> memref<640xf32, #tpu.memory_space<vmem_shared>>
      tpu.wait_dma2 semaphore(%run_scoped3A : memref<!tpu.dma_semaphore, #tpu.memory_space<semaphore_mem>>) src(%dma_wait3A_31 : memref<640xf32, #tpu.memory_space<vmem_shared>>) dst(%dma_wait3A_30 : memref<640xf32, #tpu.memory_space<hbm>>)
      tpu.yield
    }) : () -> ()
    return
  }
}

module attributes {stable_mosaic.version = 14 : i64} {
  func.func @_mm_body(%arg0: i32, %arg1: memref<2048x128xf32, #tpu.memory_space<vmem>>, %arg2: memref<128x128xf32, #tpu.memory_space<vmem>>, %arg3: memref<2x10240xf32, #tpu.memory_space<vmem>>, %arg4: memref<2x2048x64xf32, #tpu.memory_space<vmem>>) attributes {dimension_semantics = [#tpu.dimension_semantics<arbitrary>], iteration_bounds = array<i64: 5>, scalar_prefetch = 0 : i64, scratch_operands = 0 : i64, tpu.core_type = #tpu.core_type<tc>, window_params = [{transform_indices = @transform_0, window_bounds = array<i64: 2048, 128>}, {pipeline_mode = #tpu.pipeline_mode<synchronous>, transform_indices = @transform_1, window_bounds = array<i64: 128, 128>}, {pipeline_mode = #tpu.pipeline_mode<synchronous>, transform_indices = @transform_2, window_bounds = array<i64: 2, 10240>}, {transform_indices = @transform_3, window_bounds = array<i64: 2, 2048, 64>}]} {
    %mul3A = arith.constant 2048 : i32
    %mul3A_0 = arith.muli %arg0, %mul3A : i32
    %multiple_of3A = tpu.assume_multiple %mul3A_0, 128 : i32
    %get3A = arith.constant 0 : index
    %get3A_1 = arith.index_cast %multiple_of3A : i32 to index
    %get3A_2 = vector.load %arg3[%get3A, %get3A_1] : memref<2x10240xf32, #tpu.memory_space<vmem>>, vector<1x2048xf32>
    %get3A_3 = vector.shape_cast %get3A_2 : vector<1x2048xf32> to vector<2048xf32>
    %get3A_4 = arith.constant 1 : index
    %get3A_5 = arith.index_cast %multiple_of3A : i32 to index
    %get3A_6 = vector.load %arg3[%get3A_4, %get3A_5] : memref<2x10240xf32, #tpu.memory_space<vmem>>, vector<1x2048xf32>
    %get3A_7 = vector.shape_cast %get3A_6 : vector<1x2048xf32> to vector<2048xf32>
    %add3A = arith.addf %get3A_3, %get3A_7 : vector<2048xf32>
    %add3A_8 = arith.constant 1.000000e+00 : f32
    %add3A_9 = vector.broadcast %add3A_8 : f32 to vector<2048xf32>
    %add3A_10 = arith.addf %add3A, %add3A_9 : vector<2048xf32>
    %rsqrt3A = math.rsqrt %add3A_10 : vector<2048xf32>
    %get3A_11 = arith.constant 0 : index
    %get3A_12 = arith.constant 0 : index
    %get3A_13 = vector.load %arg1[%get3A_11, %get3A_12] : memref<2048x128xf32, #tpu.memory_space<vmem>>, vector<2048x128xf32>
    %get3A_14 = arith.constant 0 : index
    %get3A_15 = arith.constant 0 : index
    %get3A_16 = vector.load %arg2[%get3A_14, %get3A_15] : memref<128x128xf32, #tpu.memory_space<vmem>>, vector<128x128xf32>
    %dot_general3A = arith.constant dense<0.000000e+00> : vector<2048x128xf32>
    %dot_general3A_17 = tpu.matmul %get3A_13, %get3A_16, %dot_general3A {dimension_numbers = #tpu.dot_dimension_numbers<[1], [0], [0], [1], [0, 0, 1, 1], [], []>, transpose_lhs_hint = false} : vector<2048x128xf32>, vector<128x128xf32>, vector<2048x128xf32> -> vector<2048x128xf32>
    %broadcast_in_dim3A = vector.shape_cast %rsqrt3A : vector<2048xf32> to vector<2048x1xf32>
    %mul3A_18 = vector.broadcast %broadcast_in_dim3A : vector<2048x1xf32> to vector<2048x128xf32>
    %mul3A_19 = arith.mulf %dot_general3A_17, %mul3A_18 : vector<2048x128xf32>
    %slice3A = vector.extract_strided_slice %mul3A_19 {offsets = [0, 0], sizes = [2048, 64], strides = [1, 1]} : vector<2048x128xf32> to vector<2048x64xf32>
    %swap3A = arith.constant 0 : index
    %swap3A_20 = arith.constant 0 : index
    %swap3A_21 = arith.constant 0 : index
    %swap3A_22 = vector.load %arg4[%swap3A, %swap3A_20, %swap3A_21] : memref<2x2048x64xf32, #tpu.memory_space<vmem>>, vector<1x2048x64xf32>
    %swap3A_23 = vector.shape_cast %swap3A_22 : vector<1x2048x64xf32> to vector<2048x64xf32>
    %swap3A_24 = vector.shape_cast %slice3A : vector<2048x64xf32> to vector<1x2048x64xf32>
    tpu.vector_store %arg4[%swap3A, %swap3A_20, %swap3A_21], %swap3A_24 {strides = array<i32>} : memref<2x2048x64xf32, #tpu.memory_space<vmem>>, vector<1x2048x64xf32>,
    %slice3A_25 = vector.extract_strided_slice %mul3A_19 {offsets = [0, 64], sizes = [2048, 64], strides = [1, 1]} : vector<2048x128xf32> to vector<2048x64xf32>
    %swap3A_26 = arith.constant 1 : index
    %swap3A_27 = arith.constant 0 : index
    %swap3A_28 = arith.constant 0 : index
    %swap3A_29 = vector.load %arg4[%swap3A_26, %swap3A_27, %swap3A_28] : memref<2x2048x64xf32, #tpu.memory_space<vmem>>, vector<1x2048x64xf32>
    %swap3A_30 = vector.shape_cast %swap3A_29 : vector<1x2048x64xf32> to vector<2048x64xf32>
    %swap3A_31 = vector.shape_cast %slice3A_25 : vector<2048x64xf32> to vector<1x2048x64xf32>
    tpu.vector_store %arg4[%swap3A_26, %swap3A_27, %swap3A_28], %swap3A_31 {strides = array<i32>} : memref<2x2048x64xf32, #tpu.memory_space<vmem>>, vector<1x2048x64xf32>,
    return
  }
  func.func @transform_0(%arg0: i32) -> (i32, i32) {
    %c0_i32 = arith.constant 0 : i32
    %c0_i32_0 = arith.constant 0 : i32
    return %arg0, %c0_i32 : i32, i32
  }
  func.func @transform_1(%arg0: i32) -> (i32, i32) {
    %c0_i32 = arith.constant 0 : i32
    %c0_i32_0 = arith.constant 0 : i32
    %c0_i32_1 = arith.constant 0 : i32
    return %c0_i32, %c0_i32_0 : i32, i32
  }
  func.func @transform_2(%arg0: i32) -> (i32, i32) {
    %c0_i32 = arith.constant 0 : i32
    %c0_i32_0 = arith.constant 0 : i32
    %c0_i32_1 = arith.constant 0 : i32
    return %c0_i32, %c0_i32_0 : i32, i32
  }
  func.func @transform_3(%arg0: i32) -> (i32, i32, i32) {
    %c0_i32 = arith.constant 0 : i32
    %c0_i32_0 = arith.constant 0 : i32
    %c0_i32_1 = arith.constant 0 : i32
    return %c0_i32, %arg0, %c0_i32_0 : i32, i32, i32
  }
}

module attributes {stable_mosaic.version = 14 : i64} {
  func.func @_fin_body(%arg0: i32, %arg1: memref<2x2048x64xf32, #tpu.memory_space<vmem>>, %arg2: memref<2x2048x64xf32, #tpu.memory_space<vmem>>, %arg3: memref<2x10240xf32, #tpu.memory_space<vmem>>, %arg4: memref<128xf32, #tpu.memory_space<vmem>>, %arg5: memref<128xf32, #tpu.memory_space<vmem>>, %arg6: memref<128xf32, #tpu.memory_space<vmem>>, %arg7: memref<2048x128xf32, #tpu.memory_space<vmem>>) attributes {dimension_semantics = [#tpu.dimension_semantics<arbitrary>], iteration_bounds = array<i64: 5>, scalar_prefetch = 0 : i64, scratch_operands = 0 : i64, tpu.core_type = #tpu.core_type<tc>, window_params = [{transform_indices = @transform_0, window_bounds = array<i64: 2, 2048, 64>}, {transform_indices = @transform_1, window_bounds = array<i64: 2, 2048, 64>}, {pipeline_mode = #tpu.pipeline_mode<synchronous>, transform_indices = @transform_2, window_bounds = array<i64: 2, 10240>}, {pipeline_mode = #tpu.pipeline_mode<synchronous>, transform_indices = @transform_3, window_bounds = array<i64: 128>}, {pipeline_mode = #tpu.pipeline_mode<synchronous>, transform_indices = @transform_4, window_bounds = array<i64: 128>}, {pipeline_mode = #tpu.pipeline_mode<synchronous>, transform_indices = @transform_5, window_bounds = array<i64: 128>}, {transform_indices = @transform_6, window_bounds = array<i64: 2048, 128>}]} {
    %mul3A = arith.constant 2048 : i32
    %mul3A_0 = arith.muli %arg0, %mul3A : i32
    %multiple_of3A = tpu.assume_multiple %mul3A_0, 128 : i32
    %get3A = arith.constant 0 : index
    %get3A_1 = arith.index_cast %multiple_of3A : i32 to index
    %get3A_2 = vector.load %arg3[%get3A, %get3A_1] : memref<2x10240xf32, #tpu.memory_space<vmem>>, vector<1x2048xf32>
    %get3A_3 = vector.shape_cast %get3A_2 : vector<1x2048xf32> to vector<2048xf32>
    %get3A_4 = arith.constant 1 : index
    %get3A_5 = arith.index_cast %multiple_of3A : i32 to index
    %get3A_6 = vector.load %arg3[%get3A_4, %get3A_5] : memref<2x10240xf32, #tpu.memory_space<vmem>>, vector<1x2048xf32>
    %get3A_7 = vector.shape_cast %get3A_6 : vector<1x2048xf32> to vector<2048xf32>
    %add3A = arith.addf %get3A_3, %get3A_7 : vector<2048xf32>
    %add3A_8 = arith.constant 1.000000e+00 : f32
    %add3A_9 = vector.broadcast %add3A_8 : f32 to vector<2048xf32>
    %add3A_10 = arith.addf %add3A, %add3A_9 : vector<2048xf32>
    %rsqrt3A = math.rsqrt %add3A_10 : vector<2048xf32>
    %get3A_11 = arith.constant 0 : index
    %get3A_12 = arith.constant 0 : index
    %get3A_13 = arith.constant 0 : index
    %get3A_14 = vector.load %arg1[%get3A_11, %get3A_12, %get3A_13] : memref<2x2048x64xf32, #tpu.memory_space<vmem>>, vector<1x2048x64xf32>
    %get3A_15 = vector.shape_cast %get3A_14 : vector<1x2048x64xf32> to vector<2048x64xf32>
    %get3A_16 = arith.constant 1 : index
    %get3A_17 = arith.constant 0 : index
    %get3A_18 = arith.constant 0 : index
    %get3A_19 = vector.load %arg1[%get3A_16, %get3A_17, %get3A_18] : memref<2x2048x64xf32, #tpu.memory_space<vmem>>, vector<1x2048x64xf32>
    %get3A_20 = vector.shape_cast %get3A_19 : vector<1x2048x64xf32> to vector<2048x64xf32>
    %concatenate3A = tpu.concatenate %get3A_15, %get3A_20 in 1 : vector<2048x64xf32>, vector<2048x64xf32> -> vector<2048x128xf32>
    %get3A_21 = arith.constant 0 : index
    %get3A_22 = arith.constant 0 : index
    %get3A_23 = arith.constant 0 : index
    %get3A_24 = vector.load %arg2[%get3A_21, %get3A_22, %get3A_23] : memref<2x2048x64xf32, #tpu.memory_space<vmem>>, vector<1x2048x64xf32>
    %get3A_25 = vector.shape_cast %get3A_24 : vector<1x2048x64xf32> to vector<2048x64xf32>
    %get3A_26 = arith.constant 1 : index
    %get3A_27 = arith.constant 0 : index
    %get3A_28 = arith.constant 0 : index
    %get3A_29 = vector.load %arg2[%get3A_26, %get3A_27, %get3A_28] : memref<2x2048x64xf32, #tpu.memory_space<vmem>>, vector<1x2048x64xf32>
    %get3A_30 = vector.shape_cast %get3A_29 : vector<1x2048x64xf32> to vector<2048x64xf32>
    %concatenate3A_31 = tpu.concatenate %get3A_25, %get3A_30 in 1 : vector<2048x64xf32>, vector<2048x64xf32> -> vector<2048x128xf32>
    %add3A_32 = arith.addf %concatenate3A, %concatenate3A_31 : vector<2048x128xf32>
    %broadcast_in_dim3A = vector.shape_cast %rsqrt3A : vector<2048xf32> to vector<2048x1xf32>
    %mul3A_33 = vector.broadcast %broadcast_in_dim3A : vector<2048x1xf32> to vector<2048x128xf32>
    %mul3A_34 = arith.mulf %add3A_32, %mul3A_33 : vector<2048x128xf32>
    %get3A_35 = arith.constant 0 : index
    %get3A_36 = vector.load %arg4[%get3A_35] : memref<128xf32, #tpu.memory_space<vmem>>, vector<128xf32>
    %broadcast_in_dim3A_37 = vector.shape_cast %get3A_36 : vector<128xf32> to vector<1x128xf32>
    %add3A_38 = vector.broadcast %broadcast_in_dim3A_37 : vector<1x128xf32> to vector<2048x128xf32>
    %add3A_39 = arith.addf %mul3A_34, %add3A_38 : vector<2048x128xf32>
    %reduce_sum3A = arith.constant dense<0.000000e+00> : vector<2048xf32>
    %reduce_sum3A_40 = vector.multi_reduction <add>, %add3A_39, %reduce_sum3A [1] : vector<2048x128xf32> to vector<2048xf32>
    %broadcast_in_dim3A_41 = vector.shape_cast %reduce_sum3A_40 : vector<2048xf32> to vector<2048x1xf32>
    %div3A = arith.constant 1.280000e+02 : f32
    %div3A_42 = vector.broadcast %div3A : f32 to vector<2048x1xf32>
    %div3A_43 = arith.divf %broadcast_in_dim3A_41, %div3A_42 : vector<2048x1xf32>
    %sub3A = vector.broadcast %div3A_43 : vector<2048x1xf32> to vector<2048x128xf32>
    %sub3A_44 = arith.subf %add3A_39, %sub3A : vector<2048x128xf32>
    %integer_pow3A = arith.mulf %sub3A_44, %sub3A_44 : vector<2048x128xf32>
    %reduce_sum3A_45 = arith.constant dense<0.000000e+00> : vector<2048xf32>
    %reduce_sum3A_46 = vector.multi_reduction <add>, %integer_pow3A, %reduce_sum3A_45 [1] : vector<2048x128xf32> to vector<2048xf32>
    %broadcast_in_dim3A_47 = vector.shape_cast %reduce_sum3A_46 : vector<2048xf32> to vector<2048x1xf32>
    %div3A_48 = arith.constant 1.280000e+02 : f32
    %div3A_49 = vector.broadcast %div3A_48 : f32 to vector<2048x1xf32>
    %div3A_50 = arith.divf %broadcast_in_dim3A_47, %div3A_49 : vector<2048x1xf32>
    %sub3A_51 = vector.broadcast %div3A_43 : vector<2048x1xf32> to vector<2048x128xf32>
    %sub3A_52 = arith.subf %add3A_39, %sub3A_51 : vector<2048x128xf32>
    %add3A_53 = arith.constant 9.99999974E-6 : f32
    %add3A_54 = vector.broadcast %add3A_53 : f32 to vector<2048x1xf32>
    %add3A_55 = arith.addf %div3A_50, %add3A_54 : vector<2048x1xf32>
    %sqrt3A = math.sqrt %add3A_55 : vector<2048x1xf32>
    %div3A_56 = vector.broadcast %sqrt3A : vector<2048x1xf32> to vector<2048x128xf32>
    %div3A_57 = arith.divf %sub3A_52, %div3A_56 : vector<2048x128xf32>
    %get3A_58 = arith.constant 0 : index
    %get3A_59 = vector.load %arg5[%get3A_58] : memref<128xf32, #tpu.memory_space<vmem>>, vector<128xf32>
    %broadcast_in_dim3A_60 = vector.shape_cast %get3A_59 : vector<128xf32> to vector<1x128xf32>
    %mul3A_61 = vector.broadcast %broadcast_in_dim3A_60 : vector<1x128xf32> to vector<2048x128xf32>
    %mul3A_62 = arith.mulf %div3A_57, %mul3A_61 : vector<2048x128xf32>
    %get3A_63 = arith.constant 0 : index
    %get3A_64 = vector.load %arg6[%get3A_63] : memref<128xf32, #tpu.memory_space<vmem>>, vector<128xf32>
    %broadcast_in_dim3A_65 = vector.shape_cast %get3A_64 : vector<128xf32> to vector<1x128xf32>
    %add3A_66 = vector.broadcast %broadcast_in_dim3A_65 : vector<1x128xf32> to vector<2048x128xf32>
    %add3A_67 = arith.addf %mul3A_62, %add3A_66 : vector<2048x128xf32>
    %swap3A = arith.constant 0 : index
    %swap3A_68 = arith.constant 0 : index
    %swap3A_69 = vector.load %arg7[%swap3A, %swap3A_68] : memref<2048x128xf32, #tpu.memory_space<vmem>>, vector<2048x128xf32>
    tpu.vector_store %arg7[%swap3A, %swap3A_68], %add3A_67 {strides = array<i32>} : memref<2048x128xf32, #tpu.memory_space<vmem>>, vector<2048x128xf32>,
    return
  }
  func.func @transform_0(%arg0: i32) -> (i32, i32, i32) {
    %c0_i32 = arith.constant 0 : i32
    %c0_i32_0 = arith.constant 0 : i32
    %c0_i32_1 = arith.constant 0 : i32
    return %c0_i32, %arg0, %c0_i32_0 : i32, i32, i32
  }
  func.func @transform_1(%arg0: i32) -> (i32, i32, i32) {
    %c0_i32 = arith.constant 0 : i32
    %c0_i32_0 = arith.constant 0 : i32
    %c0_i32_1 = arith.constant 0 : i32
    return %c0_i32, %arg0, %c0_i32_0 : i32, i32, i32
  }
  func.func @transform_2(%arg0: i32) -> (i32, i32) {
    %c0_i32 = arith.constant 0 : i32
    %c0_i32_0 = arith.constant 0 : i32
    %c0_i32_1 = arith.constant 0 : i32
    return %c0_i32, %c0_i32_0 : i32, i32
  }
  func.func @transform_3(%arg0: i32) -> i32 {
    %c0_i32 = arith.constant 0 : i32
    %c0_i32_0 = arith.constant 0 : i32
    return %c0_i32 : i32
  }
  func.func @transform_4(%arg0: i32) -> i32 {
    %c0_i32 = arith.constant 0 : i32
    %c0_i32_0 = arith.constant 0 : i32
    return %c0_i32 : i32
  }
  func.func @transform_5(%arg0: i32) -> i32 {
    %c0_i32 = arith.constant 0 : i32
    %c0_i32_0 = arith.constant 0 : i32
    return %c0_i32 : i32
  }
  func.func @transform_6(%arg0: i32) -> (i32, i32) {
    %c0_i32 = arith.constant 0 : i32
    %c0_i32_0 = arith.constant 0 : i32
    return %arg0, %c0_i32 : i32, i32
  }
}

</mosaic_0001>

<sc_bundles>
// kernel: kernel.6.cloned.1.call-start
scs
__scs_entry_jumppad:
0x0: {  	(pc) =	sbr.rel $0x88, $3  }
0x1: {  	(tag) =	ssettag $0x0;
	lr =	simm.s32 $0x1  }
0x2: {  	[smem:$0x3F9B] =	sst lr;
	_ =	strace $0xD0000000  }
0x3: {  	_ = 	snop  }
0x4: {  	_ = 	snop  }
0x5: {  	_ = 	snop  }
0x6: {  	_ = 	snop  }
0x7: {  	_ = 	snop  }
__scs_overlays_trampoline_lowered:
0x8: {  	[smem:$0x3FAA] =	sst s0  }
0x9: {  	[smem:$0x3FAB] =	sst s1  }
0xa: {  	[smem:$0x3FAC] =	sst s2  }
0xb: {  	[smem:$0x3FAD] =	sst s3  }
0xc: {  	[smem:$0x3FAE] =	sst s4  }
0xd: {  	[smem:$0x3FAF] =	sst s5  }
0xe: {  	[smem:$0x3FB0] =	sst s6  }
0xf: {  	[smem:$0x3FB1] =	sst s7  }
0x10: {  	[smem:$0x3FB2] =	sst s8  }
0x11: {  	[smem:$0x3FB3] =	sst s9;
	s0 =	simm.s32 @!p0 $0x0  }
0x12: {  	s1 =	sld [smem:$0x3F99];
	s0 =	simm.s32 @p0 $0x1  }
0x13: {  	[smem:$0x3FB4] =	sst s0;
	s0 =	simm.s32 @!p1 $0x0  }
0x14: {  	s2 =	sld [smem:$0x3F98];
	s0 =	simm.s32 @p1 $0x1  }
0x15: {  	[smem:$0x3FB5] =	sst s0;
	s0 =	simm.s32 @!p2 $0x0  }
0x16: {  	s3 =	sld [smem:$0x3FDB];
	s0 =	simm.s32 @p2 $0x1  }
0x17: {  	s4 =	simm.s32 $0x1BF5;
	[smem:$0x3FB7] =	sst s0  }
0x18: {  	s0 =	sld [smem:$0x3F9A];
	_ =	swait.ge [sflag:s4], $0x0  }
0x19: {  	s7 =	sld [smem:$0x3F9B]  }
0x1a: {  	s8 =	sadd.s32 $0xFFFFE003, lr  }
0x1b: {  	s9 =	sadd.s32 $0xFFFFFEF7, lr;
	s5 =	simm.s32 $0xFFFFFFFF;
	p2 =	slt.u32 s8, $0xFFFFF086  }
0x1c: {  	p1 =	slt.u32 s9, $0xF7A;
	s5 =	simm.s32 @!p2 $0x0  }
0x1d: {  	s5 =	simm.s32 @p1 $0x1;
	p0 =	seq.s32 s7, s2  }
0x1e: {  	s7 =	smul.u32 @!p0 $0xF7A, s2;
	p2 =	seq.s32 @!p0 s5, $0x0  }
0x1f: {  	s9 =	smul.u32 $0xF7A, s1;
	s8 =	simm.s32 @!p0 $0x1BF5;
	p2 =	por !p2, p0  }
0x20: {  	[sflag:s8] =	ssyncset.s32 @!p0 $0xFFFFF086;
	s6 =	sadd.s32 @!p0 s3, s7;
	s7 =	simm.s32 @!p0 $0x108  }
0x21: {  	s3 =	sadd.s32 s3, s9;
	s6 =	sadd.s32 @!p0 $0x88, s6;
	s7 =	simm.s32 @p2 $0x1082  }
0x22: {  	[simem:s7], [sflag:s8] =	dma.local @!p0 [hbm:s6], $0xF7A  }
0x23: {  	s9 =	sor.u32 $0xD0000000, s2;
	s6 =	simm.s32 $0x108;
	_ =	swait.ge @!p0 [sflag:s8], $0x0  }
0x24: {  	s3 =	sadd.s32 $0x88, s3;
	s6 =	simm.s32 @!p1 $0x1082;
	[sflag:s4] =	ssyncset.s32 $0xFFFFF086  }
0x25: {  	[simem:s6], [sflag:s4] =	dma.local [hbm:s3], $0xF7A  }
0x26: {  	[smem:$0x3F9B] =	sst s1;
	(tag) =	ssettag s2;
	_ =	strace s9  }
0x27: {  	s1 =	sld [smem:$0x3FAB]  }
0x28: {  	s2 =	sld [smem:$0x3FAC]  }
0x29: {  	s4 =	sld [smem:$0x3FAE]  }
0x2a: {  	p0 =	seq.s32 s5, $0x0;
	s5 =	sld [smem:$0x3FAF]  }
0x2b: {  	s6 =	sld [smem:$0x3FB0]  }
0x2c: {  	s7 =	sld [smem:$0x3FB1]  }
0x2d: {  	s3 =	simm.s32 $0x108;
	s8 =	sld [smem:$0x3FB2]  }
0x2e: {  	s3 =	simm.s32 @!p0 $0x1082;
	s9 =	sld [smem:$0x3FB3]  }
0x2f: {  	lr =	sadd.s32 s0, s3;
	s0 =	sld [smem:$0x3FAA]  }
0x30: {  	s3 =	sld [smem:$0x3FAD]  }
0x31: {  	[smem:$0x3FB6] =	sst s10  }
0x32: {  	s10 =	sld [smem:$0x3FB4];
	_ =	sdelay $0x3  }
0x33: {  	p0 =	seq.s32 s10, $0x1;
	s10 =	sld [smem:$0x3FB6];
	_ =	sdelay $0x3  }
0x34: {  	[smem:$0x3FB6] =	sst s10  }
0x35: {  	s10 =	sld [smem:$0x3FB5];
	_ =	sdelay $0x3  }
0x36: {  	p1 =	seq.s32 s10, $0x1;
	s10 =	sld [smem:$0x3FB6];
	_ =	sdelay $0x3  }
0x37: {  	[smem:$0x3FB6] =	sst s10  }
0x38: {  	s10 =	sld [smem:$0x3FB7]  }
0x39: {  	_ = 	snop;
	(pc) =	sbr.ind lr, $3  }
0x3a: {  	_ = 	snop  }
0x3b: {  	_ = 	snop  }
0x3c: {  	p2 =	seq.s32 s10, $0x1;
	s10 =	sld [smem:$0x3FB6]  }
0x3d: {  	_ =	shalt  }
0x3e: {  	_ =	shalt  }
0x3f: {  	_ =	shalt  }
0x40: {  	_ =	shalt  }
0x41: {  	_ =	shalt  }
0x42: {  	_ =	shalt  }
0x43: {  	_ =	shalt  }
0x44: {  	_ =	shalt  }
0x45: {  	_ =	shalt  }
0x46: {  	_ =	shalt  }
0x47: {  	_ =	shalt  }
0x48: {  	_ =	shalt  }
0x49: {  	_ =	shalt  }
0x4a: {  	_ =	shalt  }
0x4b: {  	_ =	shalt  }
0x4c: {  	_ =	shalt  }
0x4d: {  	_ =	shalt  }
0x4e: {  	_ =	shalt  }
0x4f: {  	_ =	shalt  }
0x50: {  	_ =	shalt  }
0x51: {  	_ =	shalt  }
0x52: {  	_ =	shalt  }
0x53: {  	_ =	shalt  }
0x54: {  	_ =	shalt  }
0x55: {  	_ =	shalt  }
0x56: {  	_ =	shalt  }
0x57: {  	_ =	shalt  }
0x58: {  	_ =	shalt  }
0x59: {  	_ =	shalt  }
0x5a: {  	_ =	shalt  }
0x5b: {  	_ =	shalt  }
0x5c: {  	_ =	shalt  }
0x5d: {  	_ =	shalt  }
0x5e: {  	_ =	shalt  }
0x5f: {  	_ =	shalt  }
0x60: {  	_ =	shalt  }
0x61: {  	_ =	shalt  }
0x62: {  	_ =	shalt  }
0x63: {  	_ =	shalt  }
0x64: {  	_ =	shalt  }
0x65: {  	_ =	shalt  }
0x66: {  	_ =	shalt  }
0x67: {  	_ =	shalt  }
0x68: {  	_ =	shalt  }
0x69: {  	_ =	shalt  }
0x6a: {  	_ =	shalt  }
0x6b: {  	_ =	shalt  }
0x6c: {  	_ =	shalt  }
0x6d: {  	_ =	shalt  }
0x6e: {  	_ =	shalt  }
0x6f: {  	_ =	shalt  }
0x70: {  	_ =	shalt  }
0x71: {  	_ =	shalt  }
0x72: {  	_ =	shalt  }
0x73: {  	_ =	shalt  }
0x74: {  	_ =	shalt  }
0x75: {  	_ =	shalt  }
0x76: {  	_ =	shalt  }
0x77: {  	_ =	shalt  }
0x78: {  	_ =	shalt  }
0x79: {  	_ =	shalt  }
0x7a: {  	_ =	shalt  }
0x7b: {  	_ =	shalt  }
0x7c: {  	_ =	shalt  }
0x7d: {  	_ =	shalt  }
0x7e: {  	_ =	shalt  }
0x7f: {  	_ =	shalt  }
0x80: {  	_ =	shalt  }
0x81: {  	_ =	shalt  }
0x82: {  	_ =	shalt  }
0x83: {  	_ =	shalt  }
0x84: {  	_ =	shalt  }
0x85: {  	_ =	shalt  }
0x86: {  	_ =	shalt  }
0x87: {  	_ =	shalt  }
.Lfunc_end0:
.L_simem_size_0:
called_computation_lowered:
.L_overlay_start_0:
0x88: {  	s2 =	sld [smem:$0x3FD9]  }
0x89: {  	s3 =	sld [smem:$0x3FFE];
	_ =	sdelay $0x1  }
0x8a: {  	s1 =	srdreg.scid  }
0x8b: {  	s0 =	sand.u32 $0x1, s1  }
0x8c: {  	s16 =	sshll.u32 s0, $0xA;
	s2 =	sadd.s32 s3, s2  }
0x8d: {  	s2 =	sadd.s32 s2, s16  }
0x8e: {  	[smem:$0x3FC2] =	sst s2  }
0x8f: {  	_ = 	snop  }
0x90: {  	(tm) =	ssettm $0x1  }
0x91: {  	s17 =	sld [smem:$0x3FFB];
	_ =	sdelay $0x3  }
0x92: {  	_ =	strace s17  }
0x93: {  	s2 =	sld [smem:$0x3FFC];
	_ =	sdelay $0x3  }
0x94: {  	_ =	strace s2  }
0x95: {  	s2 =	sld [smem:$0x3FFD];
	_ =	sdelay $0x3  }
0x96: {  	_ =	strace s2  }
0x97: {  	_ =	strace $0x8FFFFFFF  }
0x98: {  	s18 =	sld [smem:$0x3FDB];
	_ =	sdelay $0x1  }
0x99: {  	s19 =	simm.s32 $_scs_section_size  }
0x9a: {  	s4 =	simm.s32 $_size__tile_overlayer_lowered;
	s5 =	simm.s32 $_tile_overlayer_lowered  }
0x9b: {  	s22 =	simm.s32 $0x1BFF;
	s21 =	sshll.u32 s5, $0x1;
	s2 =	sadd.s32 s19, s18  }
0x9c: {  	s6 =	simm.s32 $0x0;
	s20 =	sshll.u32 s4, $0x1;
	s4 =	sadd.s32 s21, s2  }
0x9d: {  	[timem:s6], [sflag:s22] =	dma.local [hbm:s4], s20  }
0x9e: {  	_ =	swait.ge [sflag:s22], s20  }
0x9f: {  	s3 =	ssub.s32 $0x0, s20;
	[sflag:s22] =	ssyncset.done $0x0  }
0xa0: {  	[sflag:s22] =	ssyncadd.s32 s3;
	_ =	sdelay $0x1  }
0xa1: {  	s23 =	simm.s32 $0x1B8B  }
0xa2: {  	_ =	swait.ge [sflag:s23], $0x1  }
0xa3: {  	[sflag:s23] =	ssyncset.done $0x0  }
0xa4: {  	s25 =	simm.s32 $0x1B8E;
	s24 =	sld [smem:$0x3FFE];
	[sflag:s23] =	ssyncadd.s32 $0xFFFFFFFF  }
0xa5: {  	s26 =	simm.s32 $execute0_lowered;
	[smem:$0x3FD2] =	sst s25  }
0xa6: {  	s4 =	sshll.u32 s26, $0x1;
	_ =	strace $0x80000046;
	[dreg:$0x1] =	wrdreg $0xFFFFFFFF  }
0xa7: {  	s28 =	simm.s32 $_size_execute0_lowered;
	s2 =	sadd.s32 s2, s4;
	[dreg:$0x0] =	wrdreg $0x0  }
0xa8: {  	s4 =	sshll.u32 s28, $0x1;
	[dreg:$0x2] =	wrdreg s2  }
0xa9: {  	[dreg:$0x3] =	wrdreg s4  }
0xaa: {  	[dreg:$0x4] =	wrdreg $0xC0  }
0xab: {  	_ =	task [dreg:s6], $0x5FFFF  }
0xac: {  	[dreg:$0x1] =	wrdreg $0xFFFFFFFF  }
0xad: {  	[dreg:$0x0] =	wrdreg $0x60  }
0xae: {  	[dreg:$0x2] =	wrdreg s24  }
0xaf: {  	[dreg:$0x3] =	wrdreg $0x2B000  }
0xb0: {  	[dreg:$0x4] =	wrdreg $0x9  }
0xb1: {  	_ =	task.clear_ibuf [dreg:s6], $0x5FFFF;
	_ =	strace $0x90000046  }
0xb2: {  	s29 =	simm.s32 $0x9;
	_ =	strace $0x80000048  }
0xb3: {  	_ =	swait.ge [sflag:s29], $0x1  }
0xb4: {  	[sflag:s29] =	ssyncadd.s32 $0xFFFFFFFF  }
0xb5: {  	_ =	strace $0x90000048  }
0xb6: {  	_ =	sfence  }
0xb7: {  	s30 =	sld [smem:$0x0];
	_ =	sdelay $0x2  }
0xb8: {  	s31 =	sshll.u32 s1, $0xD;
	s1 =	sshrl.u32 s1, $0x2  }
0xb9: {  	s3 =	sand.u32 $0x4000, s31;
	s1 =	sadd.s32 s1, s30  }
0xba: {  	s0 =	sor.u32 s3, s0;
	s1 =	sshll.u32 s1, $0x11  }
0xbb: {  	s0 =	sor.u32 s1, s0  }
0xbc: {  	s0 =	sadd.s32 $0x8F2B, s0  }
0xbd: {  	[sflag:s0] =	ssyncadd.remote.s32 $0x1  }
0xbe: {  	_ =	sfence.sel $0xFFFF  }
0xbf: {  	[dreg:$0x0] =	wrdreg $0xFFFFFFFF;
	(pc) =	sbr.abs _section_cstart, $3  }
0xc0: {  	[dreg:$0x1] =	wrdreg $0xFFFFFFFF  }
0xc1: {  	_ =	task.clear_ibuf [dreg:s6], $0x2FFFF;
	_ =	strace $0x9FFFFFFF  }
0xc2: {  	(tm) =	ssettm $0x7FFFFFFF  }
0xc3: {  	_ =	shalt  }
tec
execute0_lowered:
.L_overlay_start_1:
0x0: {  	(tag) =	ssettag $0x1  }
0x1: {  	s4 =	rddreg [dreg:$0x0];
	s1 =	srdreg.scid  }
0x2: {  	s0 =	stileid.u32;
	s2 =	rddreg [dreg:$0x1];
	s3 =	simm.s32 $0x0  }
0x3: {  	s10 =	simm.s32 $0x7D;
	s11 =	simm.s32 $0x2800;
	s14 =	simm.s32 $0x20  }
0x4: {  	s15 =	simm.s32 $0x10;
	s16 =	simm.s32 $0x0;
	s6 =	smul.u32 $0x5000, s0  }
0x5: {  	s5 =	sand.u32 $0x1, s1;
	s1 =	rddreg [dreg:$0x2];
	s8 =	smul.u32 $0x500, s0  }
0x6: {  	[smem:$0x7FF] =	sst s3;
	s30 =	smul.u32 $0xA00, s0;
	s12 =	sshll.u32 s0, $0x6  }
0x7: {  	s7 =	smul.u32 $0x2800, s5;
	s29 =	sshll.u32 s5, $0x7;
	s5 =	ssub.s32 $0x2, s5  }
0x8: {  	_ =	strace $0x80000047;
	s12 =	sor.u32 $0x1C01, s12;
	s31 =	sshrl.u32 s5, $0x1  }
0x9: {  	s6 =	sadd.s32 s7, s6;
	s7 =	sor.u32 s29, s8;
	s8 =	sshrl.u32 s30, $0x2  }
0xa: {  	s9 =	ssub.s32 s5, s31;
	s6 =	sshrl.u32 s6, $0x3;
	s7 =	sshrl.u32 s7, $0x3  }
0xb: {  	s6 =	sadd.s32 s6, s4;
	s7 =	sadd.s32 s7, s4;
	s4 =	sadd.s32 s8, s2  }
0xc: {  	s8 =	simm.s32 $0x2880;
	s5 =	sadd.s32 $0x1400, s6;
	s6 =	sadd.s32 $0xB400, s7  }
0xd: {  	v0 =	vimm.f32 $0.0e+00;
	v1 =	vimm.f32 $1.000000000e+00;
	s7 =	smax.u32 s9, $0x1;
	s9 =	simm.s32 $0x1;
	s13 =	sshrl.u32 s4, $0x3  }
.LBB2_1:
0xe: {  	[tilespmem:$0x2880] =	vst v0  }
0xf: {  	[tilespmem:$0x2890] =	vst v0  }
0x10: {  	[tilespmem:$0x28A0] =	vst v0  }
0x11: {  	[tilespmem:$0x28B0] =	vst v0  }
0x12: {  	[tilespmem:$0x28C0] =	vst v0  }
0x13: {  	[tilespmem:$0x28D0] =	vst v0  }
0x14: {  	[tilespmem:$0x28E0] =	vst v0  }
0x15: {  	[tilespmem:$0x28F0] =	vst v0  }
0x16: {  	[tilespmem:$0x2900] =	vst v0  }
0x17: {  	[tilespmem:$0x2910] =	vst v0  }
0x18: {  	[tilespmem:$0x2920] =	vst v0  }
0x19: {  	[tilespmem:$0x2930] =	vst v0  }
0x1a: {  	[tilespmem:$0x2940] =	vst v0  }
0x1b: {  	[tilespmem:$0x2950] =	vst v0  }
0x1c: {  	[tilespmem:$0x2960] =	vst v0  }
0x1d: {  	[tilespmem:$0x2970] =	vst v0  }
0x1e: {  	[tilespmem:$0x2980] =	vst v0  }
0x1f: {  	[tilespmem:$0x2990] =	vst v0  }
0x20: {  	[tilespmem:$0x29A0] =	vst v0  }
0x21: {  	[tilespmem:$0x29B0] =	vst v0  }
0x22: {  	[tilespmem:$0x29C0] =	vst v0  }
0x23: {  	[tilespmem:$0x29D0] =	vst v0  }
0x24: {  	[tilespmem:$0x29E0] =	vst v0  }
0x25: {  	[tilespmem:$0x29F0] =	vst v0  }
0x26: {  	[tilespmem:$0x2A00] =	vst v0  }
0x27: {  	[tilespmem:$0x2A10] =	vst v0  }
0x28: {  	[tilespmem:$0x2A20] =	vst v0  }
0x29: {  	[tilespmem:$0x2A30] =	vst v0  }
0x2a: {  	[tilespmem:$0x2A40] =	vst v0  }
0x2b: {  	[tilespmem:$0x2A50] =	vst v0  }
0x2c: {  	[tilespmem:$0x2A60] =	vst v0  }
0x2d: {  	[tilespmem:$0x2A70] =	vst v0  }
0x2e: {  	[tilespmem:$0x2A80] =	vst v0  }
0x2f: {  	[tilespmem:$0x2A90] =	vst v0  }
0x30: {  	[tilespmem:$0x2AA0] =	vst v0  }
0x31: {  	[tilespmem:$0x2AB0] =	vst v0  }
0x32: {  	[tilespmem:$0x2AC0] =	vst v0  }
0x33: {  	[tilespmem:$0x2AD0] =	vst v0  }
0x34: {  	[tilespmem:$0x2AE0] =	vst v0  }
0x35: {  	[tilespmem:$0x2AF0] =	vst v0  }
0x36: {  	[spmem:s4] =	stream.linear.scatter [tilespmem:s8], [sflag:$0x1], $0x280, $0x38;
	[tilespmem:$0x2D80] =	vst v63  }
0x37: {  	_ =	swait.ge [sflag:s9], $0x280  }
0x38: {  	[sflag:s9] =	ssyncset.done $0x0  }
0x39: {  	[sflag:s9] =	ssyncadd.s32 $0xFFFFFD80  }
0x3a: {  	[tilespmem:$0x2800] =	vst v1  }
0x3b: {  	[tilespmem:$0x2810] =	vst v1  }
0x3c: {  	[tilespmem:$0x2820] =	vst v1  }
0x3d: {  	[tilespmem:$0x2830] =	vst v1  }
0x3e: {  	[tilespmem:$0x2840] =	vst v1  }
0x3f: {  	[tilespmem:$0x2850] =	vst v1  }
0x40: {  	[tilespmem:$0x2860] =	vst v1  }
0x41: {  	[tilespmem:$0x2870] =	vst v1  }
0x42: {  	[tilespmem:s3], [sflag:$0x1] =	stream.linear.gather [hbm4b:s5+s3], $0x2800, $0x38;
	[tilespmem:$0x2D80] =	vst v63  }
0x43: {  	_ =	swait.ge [sflag:s9], $0x2800  }
0x44: {  	[sflag:s9] =	ssyncset.done $0x0  }
0x45: {  	[sflag:s9] =	ssyncadd.s32 $0xFFFFD800  }
0x46: {  	s17 =	simm.s32 $0x0;
	[bflag:$0x0] =	sbarrier.arrive $0xFFFF  }
0x47: {  	[spmem:s2] =	stream.indirect.scatter.add.f32 [tilespmem:s11], [sflag:$0x1], $0x1, s17, s10, $0xb8;
	[tilespmem:$0x2D80] =	vst v63  }
0x48: {  	_ =	swait.ge [sflag:s9], $0x7D  }
0x49: {  	s17 =	simm.s32 $0x200;
	[sflag:s9] =	ssyncset.done $0x0  }
.LBB2_2:
0x4a: {  	s18 =	sshra.s32 s17, $0x2;
	[sflag:s9] =	ssyncadd.s32 $0xFFFFFF83;
	p0 =	sne.s32 s17, $0x9E00  }
0x4b: {  	[spmem:s2] =	stream.indirect.scatter.add.f32 [tilespmem:s11], [sflag:$0x1], $0x1, s18, s10, $0xb8;
	[tilespmem:$0x2D80] =	vst v63  }
.Ltmp0:
0x4c: {  	_ = 	snop;
	(pc) =	sbr.rel @p0 .LBB2_2-.Ltmp0, $4  }
0x4d: {  	_ = 	snop  }
0x4e: {  	s17 =	sadd.s32 $0x200, s17  }
0x4f: {  	_ =	swait.ge [sflag:s9], $0x7D  }
0x50: {  	[sflag:s9] =	ssyncset.done $0x0  }
0x51: {  	s16 =	sadd.s32 $0x1, s16  }
0x52: {  	[sflag:s9] =	ssyncadd.s32 $0xFFFFFF83;
	p0 =	sne.s32 s16, s7  }
.Ltmp1:
0x53: {  	[bflag:$0x0] =	sbarrier.arrive $0xFFFF;
	(pc) =	sbr.rel @p0 .LBB2_1-.Ltmp1, $4  }
0x54: {  	[hbm:s6@s14], [sflag:s12] =	dma.strided [spmem:s13@s15], $0x50, s9, $0x10   }
0x55: {  	_ =	swait.ge [sflag:s9], $0x50  }
0x56: {  	[sflag:s9] =	ssyncset.done $0x0  }
0x57: {  	[sflag:s9] =	ssyncadd.s32 $0xFFFFFFB0  }
0x58: {  	_ =	sfence.sel $0x180000  }
0x59: {  	[bflag:$0x0] =	sbarrier.arrive $0xFFFF  }
0x5a: {  	p0 =	sne.s32 s0, $0x0;
	_ =	strace $0x90000047  }
0x5b: {  	s0 =	sadd.s32 @!p0 $0x100000, s1;
	[bflag:$0x2] =	sbarrier.arrive $0xFFFF  }
0x5c: {  	[sflag:s0] =	ssyncadd.tile.s32 @!p0 $0x1;
	_ =	shalt  }
.Lfunc_end2:
_tile_overlayer_lowered:
.L_overlay_start_2:
0x5d: {  	(tag) =	ssettag $0x2  }
0x5e: {  	s0 =	rddreg [dreg:$0x0];
	s2 =	stileid.u32  }
0x5f: {  	s1 =	rddreg [dreg:$0x1];
	p0 =	sne.s32 s2, $0x0  }
0x60: {  	s3 =	rddreg [dreg:$0x2];
	[bflag:$0x3] =	sbarrier.arrive $0xFFFF;
	s2 =	simm.s32 @!p0 $0x1C01  }
0x61: {  	[timem:s3], [sflag:s2] =	dma.local @!p0 [hbm:s0], s1  }
0x62: {  	s0 =	simm.s32 @!p0 $0x1  }
0x63: {  	_ =	swait.ge @!p0 [sflag:s0], s1  }
0x64: {  	s1 =	ssub.s32 @!p0 $0x0, s1;
	[sflag:s0] =	ssyncset.done @!p0 $0x0  }
0x65: {  	[sflag:s0] =	ssyncadd.s32 @!p0 s1  }
0x66: {  	[bflag:$0x3] =	sbarrier.arrive $0xFFFF  }
0x67: {  	_ =	shalt  }

// kernel: kernel.9.cloned.1.call-start
scs
__scs_entry_jumppad:
0x0: {  	(pc) =	sbr.rel $0x88, $3  }
0x1: {  	(tag) =	ssettag $0x0;
	lr =	simm.s32 $0x1  }
0x2: {  	[smem:$0x3F9B] =	sst lr;
	_ =	strace $0xD0000000  }
0x3: {  	_ = 	snop  }
0x4: {  	_ = 	snop  }
0x5: {  	_ = 	snop  }
0x6: {  	_ = 	snop  }
0x7: {  	_ = 	snop  }
__scs_overlays_trampoline_lowered:
0x8: {  	[smem:$0x3FAA] =	sst s0  }
0x9: {  	[smem:$0x3FAB] =	sst s1  }
0xa: {  	[smem:$0x3FAC] =	sst s2  }
0xb: {  	[smem:$0x3FAD] =	sst s3  }
0xc: {  	[smem:$0x3FAE] =	sst s4  }
0xd: {  	[smem:$0x3FAF] =	sst s5  }
0xe: {  	[smem:$0x3FB0] =	sst s6  }
0xf: {  	[smem:$0x3FB1] =	sst s7  }
0x10: {  	[smem:$0x3FB2] =	sst s8  }
0x11: {  	[smem:$0x3FB3] =	sst s9;
	s0 =	simm.s32 @!p0 $0x0  }
0x12: {  	s1 =	sld [smem:$0x3F99];
	s0 =	simm.s32 @p0 $0x1  }
0x13: {  	[smem:$0x3FB4] =	sst s0;
	s0 =	simm.s32 @!p1 $0x0  }
0x14: {  	s2 =	sld [smem:$0x3F98];
	s0 =	simm.s32 @p1 $0x1  }
0x15: {  	[smem:$0x3FB5] =	sst s0;
	s0 =	simm.s32 @!p2 $0x0  }
0x16: {  	s3 =	sld [smem:$0x3FDB];
	s0 =	simm.s32 @p2 $0x1  }
0x17: {  	s4 =	simm.s32 $0x1BF5;
	[smem:$0x3FB7] =	sst s0  }
0x18: {  	s0 =	sld [smem:$0x3F9A];
	_ =	swait.ge [sflag:s4], $0x0  }
0x19: {  	s7 =	sld [smem:$0x3F9B]  }
0x1a: {  	s8 =	sadd.s32 $0xFFFFE003, lr  }
0x1b: {  	s9 =	sadd.s32 $0xFFFFFEF7, lr;
	s5 =	simm.s32 $0xFFFFFFFF;
	p2 =	slt.u32 s8, $0xFFFFF086  }
0x1c: {  	p1 =	slt.u32 s9, $0xF7A;
	s5 =	simm.s32 @!p2 $0x0  }
0x1d: {  	s5 =	simm.s32 @p1 $0x1;
	p0 =	seq.s32 s7, s2  }
0x1e: {  	s7 =	smul.u32 @!p0 $0xF7A, s2;
	p2 =	seq.s32 @!p0 s5, $0x0  }
0x1f: {  	s9 =	smul.u32 $0xF7A, s1;
	s8 =	simm.s32 @!p0 $0x1BF5;
	p2 =	por !p2, p0  }
0x20: {  	[sflag:s8] =	ssyncset.s32 @!p0 $0xFFFFF086;
	s6 =	sadd.s32 @!p0 s3, s7;
	s7 =	simm.s32 @!p0 $0x108  }
0x21: {  	s3 =	sadd.s32 s3, s9;
	s6 =	sadd.s32 @!p0 $0x88, s6;
	s7 =	simm.s32 @p2 $0x1082  }
0x22: {  	[simem:s7], [sflag:s8] =	dma.local @!p0 [hbm:s6], $0xF7A  }
0x23: {  	s9 =	sor.u32 $0xD0000000, s2;
	s6 =	simm.s32 $0x108;
	_ =	swait.ge @!p0 [sflag:s8], $0x0  }
0x24: {  	s3 =	sadd.s32 $0x88, s3;
	s6 =	simm.s32 @!p1 $0x1082;
	[sflag:s4] =	ssyncset.s32 $0xFFFFF086  }
0x25: {  	[simem:s6], [sflag:s4] =	dma.local [hbm:s3], $0xF7A  }
0x26: {  	[smem:$0x3F9B] =	sst s1;
	(tag) =	ssettag s2;
	_ =	strace s9  }
0x27: {  	s1 =	sld [smem:$0x3FAB]  }
0x28: {  	s2 =	sld [smem:$0x3FAC]  }
0x29: {  	s4 =	sld [smem:$0x3FAE]  }
0x2a: {  	p0 =	seq.s32 s5, $0x0;
	s5 =	sld [smem:$0x3FAF]  }
0x2b: {  	s6 =	sld [smem:$0x3FB0]  }
0x2c: {  	s7 =	sld [smem:$0x3FB1]  }
0x2d: {  	s3 =	simm.s32 $0x108;
	s8 =	sld [smem:$0x3FB2]  }
0x2e: {  	s3 =	simm.s32 @!p0 $0x1082;
	s9 =	sld [smem:$0x3FB3]  }
0x2f: {  	lr =	sadd.s32 s0, s3;
	s0 =	sld [smem:$0x3FAA]  }
0x30: {  	s3 =	sld [smem:$0x3FAD]  }
0x31: {  	[smem:$0x3FB6] =	sst s10  }
0x32: {  	s10 =	sld [smem:$0x3FB4];
	_ =	sdelay $0x3  }
0x33: {  	p0 =	seq.s32 s10, $0x1;
	s10 =	sld [smem:$0x3FB6];
	_ =	sdelay $0x3  }
0x34: {  	[smem:$0x3FB6] =	sst s10  }
0x35: {  	s10 =	sld [smem:$0x3FB5];
	_ =	sdelay $0x3  }
0x36: {  	p1 =	seq.s32 s10, $0x1;
	s10 =	sld [smem:$0x3FB6];
	_ =	sdelay $0x3  }
0x37: {  	[smem:$0x3FB6] =	sst s10  }
0x38: {  	s10 =	sld [smem:$0x3FB7]  }
0x39: {  	_ = 	snop;
	(pc) =	sbr.ind lr, $3  }
0x3a: {  	_ = 	snop  }
0x3b: {  	_ = 	snop  }
0x3c: {  	p2 =	seq.s32 s10, $0x1;
	s10 =	sld [smem:$0x3FB6]  }
0x3d: {  	_ =	shalt  }
0x3e: {  	_ =	shalt  }
0x3f: {  	_ =	shalt  }
0x40: {  	_ =	shalt  }
0x41: {  	_ =	shalt  }
0x42: {  	_ =	shalt  }
0x43: {  	_ =	shalt  }
0x44: {  	_ =	shalt  }
0x45: {  	_ =	shalt  }
0x46: {  	_ =	shalt  }
0x47: {  	_ =	shalt  }
0x48: {  	_ =	shalt  }
0x49: {  	_ =	shalt  }
0x4a: {  	_ =	shalt  }
0x4b: {  	_ =	shalt  }
0x4c: {  	_ =	shalt  }
0x4d: {  	_ =	shalt  }
0x4e: {  	_ =	shalt  }
0x4f: {  	_ =	shalt  }
0x50: {  	_ =	shalt  }
0x51: {  	_ =	shalt  }
0x52: {  	_ =	shalt  }
0x53: {  	_ =	shalt  }
0x54: {  	_ =	shalt  }
0x55: {  	_ =	shalt  }
0x56: {  	_ =	shalt  }
0x57: {  	_ =	shalt  }
0x58: {  	_ =	shalt  }
0x59: {  	_ =	shalt  }
0x5a: {  	_ =	shalt  }
0x5b: {  	_ =	shalt  }
0x5c: {  	_ =	shalt  }
0x5d: {  	_ =	shalt  }
0x5e: {  	_ =	shalt  }
0x5f: {  	_ =	shalt  }
0x60: {  	_ =	shalt  }
0x61: {  	_ =	shalt  }
0x62: {  	_ =	shalt  }
0x63: {  	_ =	shalt  }
0x64: {  	_ =	shalt  }
0x65: {  	_ =	shalt  }
0x66: {  	_ =	shalt  }
0x67: {  	_ =	shalt  }
0x68: {  	_ =	shalt  }
0x69: {  	_ =	shalt  }
0x6a: {  	_ =	shalt  }
0x6b: {  	_ =	shalt  }
0x6c: {  	_ =	shalt  }
0x6d: {  	_ =	shalt  }
0x6e: {  	_ =	shalt  }
0x6f: {  	_ =	shalt  }
0x70: {  	_ =	shalt  }
0x71: {  	_ =	shalt  }
0x72: {  	_ =	shalt  }
0x73: {  	_ =	shalt  }
0x74: {  	_ =	shalt  }
0x75: {  	_ =	shalt  }
0x76: {  	_ =	shalt  }
0x77: {  	_ =	shalt  }
0x78: {  	_ =	shalt  }
0x79: {  	_ =	shalt  }
0x7a: {  	_ =	shalt  }
0x7b: {  	_ =	shalt  }
0x7c: {  	_ =	shalt  }
0x7d: {  	_ =	shalt  }
0x7e: {  	_ =	shalt  }
0x7f: {  	_ =	shalt  }
0x80: {  	_ =	shalt  }
0x81: {  	_ =	shalt  }
0x82: {  	_ =	shalt  }
0x83: {  	_ =	shalt  }
0x84: {  	_ =	shalt  }
0x85: {  	_ =	shalt  }
0x86: {  	_ =	shalt  }
0x87: {  	_ =	shalt  }
.Lfunc_end0:
.L_simem_size_0:
called_computation.1_lowered:
.L_overlay_start_0:
0x88: {  	s2 =	sld [smem:$0x3FD9]  }
0x89: {  	s3 =	sld [smem:$0x3FFE];
	_ =	sdelay $0x1  }
0x8a: {  	s1 =	srdreg.scid  }
0x8b: {  	s0 =	sand.u32 $0x1, s1  }
0x8c: {  	s17 =	sshll.u32 s0, $0xA;
	s2 =	sadd.s32 s3, s2  }
0x8d: {  	s2 =	sadd.s32 s2, s17  }
0x8e: {  	[smem:$0x3FC2] =	sst s2  }
0x8f: {  	_ = 	snop  }
0x90: {  	s2 =	sld [smem:$0x3FD0];
	(tm) =	ssettm $0x1  }
0x91: {  	s18 =	sld [smem:$0x3FFB];
	_ =	sdelay $0x3  }
0x92: {  	_ =	strace s18  }
0x93: {  	s3 =	sld [smem:$0x3FFC];
	_ =	sdelay $0x3  }
0x94: {  	_ =	strace s3  }
0x95: {  	s3 =	sld [smem:$0x3FFD];
	_ =	sdelay $0x3  }
0x96: {  	_ =	strace s3  }
0x97: {  	_ =	strace $0x8FFFFFFF  }
0x98: {  	s19 =	sld [smem:$0x3FDB];
	_ =	sdelay $0x1  }
0x99: {  	s4 =	simm.s32 $_scs_section_size  }
0x9a: {  	s5 =	simm.s32 $_size__tile_overlayer_lowered;
	s6 =	simm.s32 $_tile_overlayer_lowered  }
0x9b: {  	s22 =	simm.s32 $0x1BFF;
	s21 =	sshll.u32 s6, $0x1;
	s3 =	sadd.s32 s4, s19  }
0x9c: {  	s7 =	simm.s32 $0x0;
	s20 =	sshll.u32 s5, $0x1;
	s5 =	sadd.s32 s21, s3  }
0x9d: {  	[timem:s7], [sflag:s22] =	dma.local [hbm:s5], s20  }
0x9e: {  	_ =	swait.ge [sflag:s22], s20  }
0x9f: {  	s4 =	ssub.s32 $0x0, s20;
	[sflag:s22] =	ssyncset.done $0x0  }
0xa0: {  	[sflag:s22] =	ssyncadd.s32 s4;
	_ =	sdelay $0x1  }
0xa1: {  	s23 =	simm.s32 $0x1B8B  }
0xa2: {  	_ =	swait.ge [sflag:s23], $0x1  }
0xa3: {  	[sflag:s23] =	ssyncset.done $0x0  }
0xa4: {  	s25 =	simm.s32 $0x1B8E;
	s24 =	sld [smem:$0x3FFE];
	[sflag:s23] =	ssyncadd.s32 $0xFFFFFFFF  }
0xa5: {  	s26 =	simm.s32 $execute0_lowered;
	[smem:$0x3FD2] =	sst s25  }
0xa6: {  	s5 =	sshll.u32 s26, $0x1;
	_ =	strace $0x80000049;
	[dreg:$0x1] =	wrdreg $0xFFFFFFFF  }
0xa7: {  	s28 =	simm.s32 $_size_execute0_lowered;
	s3 =	sadd.s32 s3, s5;
	[dreg:$0x0] =	wrdreg $0x0  }
0xa8: {  	s5 =	sshll.u32 s28, $0x1;
	[dreg:$0x2] =	wrdreg s3  }
0xa9: {  	[dreg:$0x3] =	wrdreg s5  }
0xaa: {  	[dreg:$0x4] =	wrdreg $0xC0  }
0xab: {  	_ =	task [dreg:s7], $0x5FFFF  }
0xac: {  	[dreg:$0x1] =	wrdreg $0xFFFFFFFF  }
0xad: {  	[dreg:$0x0] =	wrdreg $0x60  }
0xae: {  	[dreg:$0x2] =	wrdreg s2  }
0xaf: {  	[dreg:$0x3] =	wrdreg s24  }
0xb0: {  	[dreg:$0x4] =	wrdreg $0x8E800  }
0xb1: {  	[dreg:$0x5] =	wrdreg $0x12E800  }
0xb2: {  	[dreg:$0x6] =	wrdreg $0x9  }
0xb3: {  	_ =	task.clear_ibuf [dreg:s7], $0x7FFFF;
	_ =	strace $0x90000049  }
0xb4: {  	s29 =	simm.s32 $0x9;
	_ =	strace $0x8000004B  }
0xb5: {  	_ =	swait.ge [sflag:s29], $0x1  }
0xb6: {  	[sflag:s29] =	ssyncadd.s32 $0xFFFFFFFF  }
0xb7: {  	_ =	strace $0x9000004B  }
0xb8: {  	_ =	sfence  }
0xb9: {  	s30 =	sld [smem:$0x0];
	_ =	sdelay $0x2  }
0xba: {  	s31 =	sshll.u32 s1, $0xD;
	s1 =	sshrl.u32 s1, $0x2  }
0xbb: {  	s3 =	sand.u32 $0x4000, s31;
	s1 =	sadd.s32 s1, s30  }
0xbc: {  	s0 =	sor.u32 s3, s0;
	s1 =	sshll.u32 s1, $0x11  }
0xbd: {  	s0 =	sor.u32 s1, s0  }
0xbe: {  	s0 =	sadd.s32 $0x8F2B, s0  }
0xbf: {  	[sflag:s0] =	ssyncadd.remote.s32 $0x1  }
0xc0: {  	_ =	sfence.sel $0xFFFF  }
0xc1: {  	[dreg:$0x0] =	wrdreg $0xFFFFFFFF;
	(pc) =	sbr.abs _section_cstart, $3  }
0xc2: {  	[dreg:$0x1] =	wrdreg $0xFFFFFFFF  }
0xc3: {  	_ =	task.clear_ibuf [dreg:s7], $0x2FFFF;
	_ =	strace $0x9FFFFFFF  }
0xc4: {  	(tm) =	ssettm $0x7FFFFFFF  }
0xc5: {  	_ =	shalt  }
tec
execute0_lowered:
.L_overlay_start_1:
0x0: {  	(tag) =	ssettag $0x1  }
0x1: {  	s0 =	rddreg [dreg:$0x0]  }
0x2: {  	s1 =	rddreg [dreg:$0x1]  }
0x3: {  	s2 =	rddreg [dreg:$0x2];
	s4 =	srdreg.scid  }
0x4: {  	s9 =	stileid.u32;
	s3 =	rddreg [dreg:$0x3]  }
0x5: {  	s6 =	simm.s32 $0x0;
	s20 =	simm.s32 $0x3;
	s21 =	simm.s32 $0x5000  }
0x6: {  	s22 =	simm.s32 $0x2800;
	s23 =	simm.s32 $0x7D;
	s28 =	simm.s32 $0x2  }
0x7: {  	s29 =	simm.s32 $0x4F00;
	s30 =	simm.s32 $0x4F80;
	s7 =	smul.u32 $0xA000, s9  }
0x8: {  	s31 =	simm.s32 $0x0;
	s4 =	sand.u32 $0x1, s4;
	s8 =	smul.u32 $0x28000, s9  }
0x9: {  	[smem:$0x7FF] =	sst s6;
	s16 =	sadd.s32 $0xBE00, s1;
	s11 =	smul.u32 $0x5000, s9  }
0xa: {  	s26 =	sshll.u32 s9, $0x6;
	s5 =	smul.u32 $0xA0000, s4;
	_ =	strace $0x8000004A  }
0xb: {  	s4 =	ssub.s32 $0x2, s4;
	s6 =	sor.u32 $0x1C03, s26;
	s26 =	simm.s32 $0x1  }
0xc: {  	s24 =	sshrl.u32 s4, $0x1;
	s19 =	sadd.s32 s7, s2;
	s25 =	sshrl.u32 s8, $0x2  }
0xd: {  	s14 =	sshrl.u32 s11, $0x3;
	s5 =	sadd.s32 s7, s5;
	s4 =	ssub.s32 s4, s24  }
0xe: {  	s12 =	sadd.s32 s25, s3;
	s7 =	sadd.s32 s7, s3;
	s17 =	sadd.s32 $0x500, s14  }
0xf: {  	s13 =	sadd.s32 s0, s14;
	s14 =	sadd.s32 s16, s14;
	s19 =	sshrl.u32 s19, $0x3  }
0x10: {  	s24 =	simm.s32 $0x80;
	s25 =	simm.s32 $0x6F40;
	s5 =	sshrl.u32 s5, $0x3  }
0x11: {  	s8 =	sadd.s32 $0x1F40, s12;
	s9 =	sadd.s32 $0x3E80, s12;
	s10 =	sadd.s32 $0x5DC0, s12  }
0x12: {  	s11 =	sadd.s32 $0x7D00, s12;
	s12 =	sadd.s32 $0x9C40, s12;
	s1 =	sadd.s32 s5, s1  }
0x13: {  	s15 =	sadd.s32 s0, s17;
	s16 =	sadd.s32 s16, s17;
	s5 =	sadd.s32 $0x15E00, s1  }
0x14: {  	v0 =	vimm.f32 $0.0e+00;
	s18 =	smax.u32 s4, $0x1;
	s17 =	sadd.s32 $0x3DE00, s1;
	[dreg:$0x5] =	wrdreg s5  }
.LBB2_1:
0x15: {  	s0 =	rddreg [dreg:$0x5];
	s1 =	simm.s32 $0x0  }
0x16: {  	[spmem:s19], [sflag:s6] =	dma.local [hbm:s0], $0x1400  }
0x17: {  	s5 =	sand.u32 $0x7F00, s1;
	s4 =	sand.u32 $0x30, s1;
	_ =	swait.ge [sflag:s20], $0x1400  }
0x18: {  	s1 =	simm.s32 $0x40;
	s0 =	sshrl.u32 s5, $0x2;
	[sflag:s20] =	ssyncset.done $0x0  }
0x19: {  	s4 =	sor.u32 s4, s0;
	s0 =	simm.s32 $0x0;
	[sflag:s20] =	ssyncadd.s32 $0xFFFFEC00  }
.LBB2_2:
0x1a: {  	p0 =	sne.s32 s1, $0x7CC0  }
0x1b: {  	[tilespmem:s4+$0x5000] =	vst v0;
	s0 =	sadd.s32 $0x10, s0;
	s4 =	smov.u32 s1;
	s1 =	sadd.s32 $0x40, s1  }
.Ltmp0:
0x1c: {  	(pc) =	sbr.rel @p0 .LBB2_2-.Ltmp0, $4  }
0x1d: {  	_ = 	snop  }
0x1e: {  	s4 =	sand.u32 $0x7F00, s4  }
0x1f: {  	s5 =	sand.u32 $0x30, s0;
	s4 =	sshrl.u32 s4, $0x2  }
0x20: {  	s4 =	sor.u32 s5, s4  }
0x21: {  	[tilespmem:s4+$0x5000] =	vst v0  }
0x22: {  	[spmem:s7] =	stream.linear.scatter [tilespmem:s21], [sflag:$0x3], $0x1F40, $0x38;
	[tilespmem:$0x1CE80] =	vst v63  }
0x23: {  	_ =	swait.ge [sflag:s20], $0x1F40  }
0x24: {  	[sflag:s20] =	ssyncset.done $0x0  }
0x25: {  	[sflag:s20] =	ssyncadd.s32 $0xFFFFE0C0  }
0x26: {  	[spmem:s8] =	stream.linear.scatter [tilespmem:s21], [sflag:$0x3], $0x1F40, $0x38;
	[tilespmem:$0x1CE80] =	vst v63  }
0x27: {  	_ =	swait.ge [sflag:s20], $0x1F40  }
0x28: {  	[sflag:s20] =	ssyncset.done $0x0  }
0x29: {  	[sflag:s20] =	ssyncadd.s32 $0xFFFFE0C0  }
0x2a: {  	[spmem:s9] =	stream.linear.scatter [tilespmem:s21], [sflag:$0x3], $0x1F40, $0x38;
	[tilespmem:$0x1CE80] =	vst v63  }
0x2b: {  	_ =	swait.ge [sflag:s20], $0x1F40  }
0x2c: {  	[sflag:s20] =	ssyncset.done $0x0  }
0x2d: {  	[sflag:s20] =	ssyncadd.s32 $0xFFFFE0C0  }
0x2e: {  	[spmem:s10] =	stream.linear.scatter [tilespmem:s21], [sflag:$0x3], $0x1F40, $0x38;
	[tilespmem:$0x1CE80] =	vst v63  }
0x2f: {  	_ =	swait.ge [sflag:s20], $0x1F40  }
0x30: {  	[sflag:s20] =	ssyncset.done $0x0  }
0x31: {  	[sflag:s20] =	ssyncadd.s32 $0xFFFFE0C0  }
0x32: {  	[spmem:s11] =	stream.linear.scatter [tilespmem:s21], [sflag:$0x3], $0x1F40, $0x38;
	[tilespmem:$0x1CE80] =	vst v63  }
0x33: {  	_ =	swait.ge [sflag:s20], $0x1F40  }
0x34: {  	[sflag:s20] =	ssyncset.done $0x0  }
0x35: {  	[sflag:s20] =	ssyncadd.s32 $0xFFFFE0C0  }
0x36: {  	[spmem:s12] =	stream.linear.scatter [tilespmem:s21], [sflag:$0x3], $0x3C0, $0x38;
	[tilespmem:$0x1CE80] =	vst v63  }
0x37: {  	_ =	swait.ge [sflag:s20], $0x3C0  }
0x38: {  	[sflag:s20] =	ssyncset.done $0x0  }
0x39: {  	[sflag:s20] =	ssyncadd.s32 $0xFFFFFC40  }
0x3a: {  	s0 =	simm.s32 $0x0;
	[bflag:$0x0] =	sbarrier.arrive $0xFFFF  }
0x3b: {  	[tilespmem:s0], [sflag:$0x3] =	stream.linear.gather [hbm4b:s13+s0], $0x2800, $0x38;
	[tilespmem:$0x1CE80] =	vst v63  }
0x3c: {  	_ =	swait.ge [sflag:s20], $0x2800  }
0x3d: {  	[sflag:s20] =	ssyncset.done $0x0  }
0x3e: {  	[sflag:s20] =	ssyncadd.s32 $0xFFFFD800  }
0x3f: {  	[tilespmem:s22], [sflag:$0x3] =	stream.linear.gather [hbm4b:s14+s0], $0x2800, $0x38;
	[tilespmem:$0x1CE80] =	vst v63  }
0x40: {  	_ =	swait.ge [sflag:s20], $0x2800  }
0x41: {  	[sflag:s20] =	ssyncset.done $0x0  }
0x42: {  	[sflag:s20] =	ssyncadd.s32 $0xFFFFD800  }
0x43: {  	[tilespmem:s21], [sflag:$0x1] =	stream.indirect.gather [spmem:s2], $0x40, s0, s23, $0xb8;
	[tilespmem:$0x1CE80] =	vst v63  }
0x44: {  	_ = 	snop  }
0x45: {  	[tilespmem:s25], [sflag:$0x2] =	stream.indirect.gather [spmem:s2], $0x40, s24, s23, $0xb8;
	[tilespmem:$0x1CE80] =	vst v63  }
0x46: {  	_ =	swait.ge [sflag:s26], $0x1F40  }
0x47: {  	[sflag:s26] =	ssyncset.done $0x0  }
0x48: {  	s1 =	simm.s32 $0x2800;
	[sflag:s26] =	ssyncadd.s32 $0xFFFFE0C0  }
0x49: {  	[spmem:s3] =	stream.indirect.scatter.add.f32 [tilespmem:s21], [sflag:$0x3], $0x40, s1, s23, $0xb8;
	[tilespmem:$0x1CE80] =	vst v63  }
0x4a: {  	_ =	swait.ge [sflag:s20], $0x1F40  }
0x4b: {  	[sflag:s20] =	ssyncset.done $0x0  }
0x4c: {  	s4 =	simm.s32 $0x100;
	[sflag:s20] =	ssyncadd.s32 $0xFFFFE0C0  }
0x4d: {  	[tilespmem:s21], [sflag:$0x1] =	stream.indirect.gather [spmem:s2], $0x40, s4, s23, $0xb8;
	[tilespmem:$0x1CE80] =	vst v63  }
0x4e: {  	_ =	swait.ge [sflag:s28], $0x1F40  }
0x4f: {  	[sflag:s28] =	ssyncset.done $0x0  }
0x50: {  	s5 =	simm.s32 $0x2880;
	[sflag:s28] =	ssyncadd.s32 $0xFFFFE0C0  }
0x51: {  	[spmem:s3] =	stream.indirect.scatter.add.f32 [tilespmem:s25], [sflag:$0x3], $0x40, s5, s23, $0xb8;
	[tilespmem:$0x1CE80] =	vst v63  }
0x52: {  	_ =	swait.ge [sflag:s20], $0x1F40  }
0x53: {  	[sflag:s20] =	ssyncset.done $0x0  }
0x54: {  	s0 =	simm.s32 $0x180;
	s1 =	simm.s32 $0x400;
	[sflag:s20] =	ssyncadd.s32 $0xFFFFE0C0  }
.LBB2_4:
0x55: {  	[tilespmem:s25], [sflag:$0x2] =	stream.indirect.gather [spmem:s2], $0x40, s0, s23, $0xb8;
	[tilespmem:$0x1CE80] =	vst v63  }
0x56: {  	s0 =	smov.u32 s1  }
0x57: {  	p0 =	sne.s32 s1, $0x9800;
	s1 =	sadd.s32 $0x400, s1;
	_ =	swait.ge [sflag:s26], $0x1F40  }
0x58: {  	s0 =	sshra.s32 s0, $0x2;
	[sflag:s26] =	ssyncset.done $0x0  }
0x59: {  	s4 =	sadd.s32 $0x2800, s0;
	[sflag:s26] =	ssyncadd.s32 $0xFFFFE0C0  }
0x5a: {  	[spmem:s3] =	stream.indirect.scatter.add.f32 [tilespmem:s21], [sflag:$0x3], $0x40, s4, s23, $0xb8;
	[tilespmem:$0x1CE80] =	vst v63  }
0x5b: {  	_ =	swait.ge [sflag:s20], $0x1F40  }
0x5c: {  	[sflag:s20] =	ssyncset.done $0x0  }
0x5d: {  	s4 =	sadd.s32 $0x100, s0;
	[sflag:s20] =	ssyncadd.s32 $0xFFFFE0C0  }
0x5e: {  	[tilespmem:s21], [sflag:$0x1] =	stream.indirect.gather [spmem:s2], $0x40, s4, s23, $0xb8;
	[tilespmem:$0x1CE80] =	vst v63  }
0x5f: {  	_ =	swait.ge [sflag:s28], $0x1F40  }
0x60: {  	[sflag:s28] =	ssyncset.done $0x0  }
.Ltmp1:
0x61: {  	s4 =	sadd.s32 $0x2880, s0;
	[sflag:s28] =	ssyncadd.s32 $0xFFFFE0C0;
	(pc) =	sbr.rel @p0 .LBB2_4-.Ltmp1, $4  }
0x62: {  	[spmem:s3] =	stream.indirect.scatter.add.f32 [tilespmem:s25], [sflag:$0x3], $0x40, s4, s23, $0xb8;
	[tilespmem:$0x1CE80] =	vst v63  }
0x63: {  	_ =	swait.ge [sflag:s20], $0x1F40  }
0x64: {  	[sflag:s20] =	ssyncset.done $0x0  }
0x65: {  	s0 =	sadd.s32 $0x180, s0;
	[sflag:s20] =	ssyncadd.s32 $0xFFFFE0C0  }
0x66: {  	[tilespmem:s25], [sflag:$0x2] =	stream.indirect.gather [spmem:s2], $0x40, s0, s23, $0xb8;
	[tilespmem:$0x1CE80] =	vst v63  }
0x67: {  	_ =	swait.ge [sflag:s26], $0x1F40  }
0x68: {  	[sflag:s26] =	ssyncset.done $0x0  }
0x69: {  	[sflag:s26] =	ssyncadd.s32 $0xFFFFE0C0  }
0x6a: {  	[spmem:s3] =	stream.indirect.scatter.add.f32 [tilespmem:s21], [sflag:$0x3], $0x40, s29, s23, $0xb8;
	[tilespmem:$0x1CE80] =	vst v63  }
0x6b: {  	_ =	swait.ge [sflag:s20], $0x1F40  }
0x6c: {  	[sflag:s20] =	ssyncset.done $0x0  }
0x6d: {  	[sflag:s20] =	ssyncadd.s32 $0xFFFFE0C0  }
0x6e: {  	_ =	swait.ge [sflag:s28], $0x1F40  }
0x6f: {  	[sflag:s28] =	ssyncset.done $0x0  }
0x70: {  	[sflag:s28] =	ssyncadd.s32 $0xFFFFE0C0  }
0x71: {  	[spmem:s3] =	stream.indirect.scatter.add.f32 [tilespmem:s25], [sflag:$0x3], $0x40, s30, s23, $0xb8;
	[tilespmem:$0x1CE80] =	vst v63  }
0x72: {  	_ =	swait.ge [sflag:s20], $0x1F40  }
0x73: {  	[sflag:s20] =	ssyncset.done $0x0  }
0x74: {  	s5 =	simm.s32 $0x0;
	[sflag:s20] =	ssyncadd.s32 $0xFFFFE0C0  }
0x75: {  	[tilespmem:s5], [sflag:$0x3] =	stream.linear.gather [hbm4b:s15+s5], $0x2800, $0x38;
	[tilespmem:$0x1CE80] =	vst v63  }
0x76: {  	_ =	swait.ge [sflag:s20], $0x2800  }
0x77: {  	[sflag:s20] =	ssyncset.done $0x0  }
0x78: {  	[sflag:s20] =	ssyncadd.s32 $0xFFFFD800  }
0x79: {  	[tilespmem:s22], [sflag:$0x3] =	stream.linear.gather [hbm4b:s16+s5], $0x2800, $0x38;
	[tilespmem:$0x1CE80] =	vst v63  }
0x7a: {  	_ =	swait.ge [sflag:s20], $0x2800  }
0x7b: {  	[sflag:s20] =	ssyncset.done $0x0  }
0x7c: {  	[sflag:s20] =	ssyncadd.s32 $0xFFFFD800  }
0x7d: {  	[tilespmem:s21], [sflag:$0x1] =	stream.indirect.gather [spmem:s2], $0x40, s5, s23, $0xb8;
	[tilespmem:$0x1CE80] =	vst v63  }
0x7e: {  	_ = 	snop  }
0x7f: {  	[tilespmem:s25], [sflag:$0x2] =	stream.indirect.gather [spmem:s2], $0x40, s24, s23, $0xb8;
	[tilespmem:$0x1CE80] =	vst v63  }
0x80: {  	_ =	swait.ge [sflag:s26], $0x1F40  }
0x81: {  	[sflag:s26] =	ssyncset.done $0x0  }
0x82: {  	s1 =	simm.s32 $0x2800;
	[sflag:s26] =	ssyncadd.s32 $0xFFFFE0C0  }
0x83: {  	[spmem:s3] =	stream.indirect.scatter.add.f32 [tilespmem:s21], [sflag:$0x3], $0x40, s1, s23, $0xb8;
	[tilespmem:$0x1CE80] =	vst v63  }
0x84: {  	_ =	swait.ge [sflag:s20], $0x1F40  }
0x85: {  	[sflag:s20] =	ssyncset.done $0x0  }
0x86: {  	s4 =	simm.s32 $0x100;
	[sflag:s20] =	ssyncadd.s32 $0xFFFFE0C0  }
0x87: {  	[tilespmem:s21], [sflag:$0x1] =	stream.indirect.gather [spmem:s2], $0x40, s4, s23, $0xb8;
	[tilespmem:$0x1CE80] =	vst v63  }
0x88: {  	_ =	swait.ge [sflag:s28], $0x1F40  }
0x89: {  	[sflag:s28] =	ssyncset.done $0x0  }
0x8a: {  	s5 =	simm.s32 $0x2880;
	[sflag:s28] =	ssyncadd.s32 $0xFFFFE0C0  }
0x8b: {  	[spmem:s3] =	stream.indirect.scatter.add.f32 [tilespmem:s25], [sflag:$0x3], $0x40, s5, s23, $0xb8;
	[tilespmem:$0x1CE80] =	vst v63  }
0x8c: {  	_ =	swait.ge [sflag:s20], $0x1F40  }
0x8d: {  	[sflag:s20] =	ssyncset.done $0x0  }
0x8e: {  	s0 =	simm.s32 $0x180;
	s1 =	simm.s32 $0x400;
	[sflag:s20] =	ssyncadd.s32 $0xFFFFE0C0  }
.LBB2_6:
0x8f: {  	[tilespmem:s25], [sflag:$0x2] =	stream.indirect.gather [spmem:s2], $0x40, s0, s23, $0xb8;
	[tilespmem:$0x1CE80] =	vst v63  }
0x90: {  	s0 =	smov.u32 s1  }
0x91: {  	p0 =	sne.s32 s1, $0x9800;
	s1 =	sadd.s32 $0x400, s1;
	_ =	swait.ge [sflag:s26], $0x1F40  }
0x92: {  	s0 =	sshra.s32 s0, $0x2;
	[sflag:s26] =	ssyncset.done $0x0  }
0x93: {  	s4 =	sadd.s32 $0x2800, s0;
	[sflag:s26] =	ssyncadd.s32 $0xFFFFE0C0  }
0x94: {  	[spmem:s3] =	stream.indirect.scatter.add.f32 [tilespmem:s21], [sflag:$0x3], $0x40, s4, s23, $0xb8;
	[tilespmem:$0x1CE80] =	vst v63  }
0x95: {  	_ =	swait.ge [sflag:s20], $0x1F40  }
0x96: {  	[sflag:s20] =	ssyncset.done $0x0  }
0x97: {  	s4 =	sadd.s32 $0x100, s0;
	[sflag:s20] =	ssyncadd.s32 $0xFFFFE0C0  }
0x98: {  	[tilespmem:s21], [sflag:$0x1] =	stream.indirect.gather [spmem:s2], $0x40, s4, s23, $0xb8;
	[tilespmem:$0x1CE80] =	vst v63  }
0x99: {  	_ =	swait.ge [sflag:s28], $0x1F40  }
0x9a: {  	[sflag:s28] =	ssyncset.done $0x0  }
.Ltmp2:
0x9b: {  	s4 =	sadd.s32 $0x2880, s0;
	[sflag:s28] =	ssyncadd.s32 $0xFFFFE0C0;
	(pc) =	sbr.rel @p0 .LBB2_6-.Ltmp2, $4  }
0x9c: {  	[spmem:s3] =	stream.indirect.scatter.add.f32 [tilespmem:s25], [sflag:$0x3], $0x40, s4, s23, $0xb8;
	[tilespmem:$0x1CE80] =	vst v63  }
0x9d: {  	_ =	swait.ge [sflag:s20], $0x1F40  }
0x9e: {  	[sflag:s20] =	ssyncset.done $0x0  }
0x9f: {  	s0 =	sadd.s32 $0x180, s0;
	[sflag:s20] =	ssyncadd.s32 $0xFFFFE0C0  }
0xa0: {  	[tilespmem:s25], [sflag:$0x2] =	stream.indirect.gather [spmem:s2], $0x40, s0, s23, $0xb8;
	[tilespmem:$0x1CE80] =	vst v63  }
0xa1: {  	_ =	swait.ge [sflag:s26], $0x1F40  }
0xa2: {  	[sflag:s26] =	ssyncset.done $0x0  }
0xa3: {  	[sflag:s26] =	ssyncadd.s32 $0xFFFFE0C0  }
0xa4: {  	[spmem:s3] =	stream.indirect.scatter.add.f32 [tilespmem:s21], [sflag:$0x3], $0x40, s29, s23, $0xb8;
	[tilespmem:$0x1CE80] =	vst v63  }
0xa5: {  	_ =	swait.ge [sflag:s20], $0x1F40  }
0xa6: {  	[sflag:s20] =	ssyncset.done $0x0  }
0xa7: {  	[sflag:s20] =	ssyncadd.s32 $0xFFFFE0C0  }
0xa8: {  	_ =	swait.ge [sflag:s28], $0x1F40  }
0xa9: {  	[sflag:s28] =	ssyncset.done $0x0  }
0xaa: {  	[sflag:s28] =	ssyncadd.s32 $0xFFFFE0C0  }
0xab: {  	[spmem:s3] =	stream.indirect.scatter.add.f32 [tilespmem:s25], [sflag:$0x3], $0x40, s30, s23, $0xb8;
	[tilespmem:$0x1CE80] =	vst v63  }
0xac: {  	_ =	swait.ge [sflag:s20], $0x1F40  }
0xad: {  	s31 =	sadd.s32 $0x1, s31;
	[sflag:s20] =	ssyncset.done $0x0  }
0xae: {  	p0 =	sne.s32 s31, s18;
	[sflag:s20] =	ssyncadd.s32 $0xFFFFE0C0  }
.Ltmp3:
0xaf: {  	s5 =	sshrl.u32 s7, $0x3;
	[bflag:$0x0] =	sbarrier.arrive $0xFFFF;
	(pc) =	sbr.rel @p0 .LBB2_1-.Ltmp3, $4  }
0xb0: {  	[hbm:s17], [sflag:s6] =	dma.local [spmem:s5], $0x1400  }
0xb1: {  	_ =	swait.ge [sflag:s20], $0x1400  }
0xb2: {  	[sflag:s20] =	ssyncset.done $0x0  }
0xb3: {  	[sflag:s20] =	ssyncadd.s32 $0xFFFFEC00  }
0xb4: {  	_ =	sfence.sel $0x180000  }
0xb5: {  	[bflag:$0x0] =	sbarrier.arrive $0xFFFF  }
0xb6: {  	_ =	strace $0x9000004A  }
0xb7: {  	s0 =	stileid.u32;
	[bflag:$0x2] =	sbarrier.arrive $0xFFFF  }
0xb8: {  	p0 =	sne.s32 s0, $0x0;
	s0 =	rddreg [dreg:$0x4]  }
0xb9: {  	s0 =	sadd.s32 @!p0 $0x100000, s0  }
0xba: {  	[sflag:s0] =	ssyncadd.tile.s32 @!p0 $0x1;
	_ =	shalt  }
.Lfunc_end2:
_tile_overlayer_lowered:
.L_overlay_start_2:
0xbb: {  	(tag) =	ssettag $0x2  }
0xbc: {  	s0 =	rddreg [dreg:$0x0];
	s2 =	stileid.u32  }
0xbd: {  	s1 =	rddreg [dreg:$0x1];
	p0 =	sne.s32 s2, $0x0  }
0xbe: {  	s3 =	rddreg [dreg:$0x2];
	[bflag:$0x3] =	sbarrier.arrive $0xFFFF;
	s2 =	simm.s32 @!p0 $0x1C03  }
0xbf: {  	[timem:s3], [sflag:s2] =	dma.local @!p0 [hbm:s0], s1  }
0xc0: {  	s0 =	simm.s32 @!p0 $0x3  }
0xc1: {  	_ =	swait.ge @!p0 [sflag:s0], s1  }
0xc2: {  	s1 =	ssub.s32 @!p0 $0x0, s1;
	[sflag:s0] =	ssyncset.done @!p0 $0x0  }
0xc3: {  	[sflag:s0] =	ssyncadd.s32 @!p0 s1  }
0xc4: {  	[bflag:$0x3] =	sbarrier.arrive $0xFFFF  }
0xc5: {  	_ =	shalt  }

</sc_bundles>
